<compile_context>
chip_gen: v7x
topology: tpu7x:2x2x1
jax: 0.10.2.dev20260603
libtpu: 0.0.44.dev20260713+nightly
codegen_flags: <defaults>
</compile_context>

<pallas_src>
import functools

import jax
import jax.numpy as jnp
from jax import lax
from jax.experimental import pallas as pl
from jax.experimental.pallas import tpu as pltpu
from jax.experimental.pallas import tpu_sc as plsc

VOCAB = 100000
HIDDEN = 128
B = 4096
S = 200
NLANE = 16
NCOL = HIDDEN // NLANE
NBUF = 3


def _build(num_workers):
    n = B // num_workers
    mesh = plsc.VectorSubcoreMesh(core_axis_name="c", subcore_axis_name="s")

    @functools.partial(
        pl.kernel,
        mesh=mesh,
        out_type=jax.ShapeDtypeStruct((B, S, HIDDEN), jnp.float32),
        scratch_types=(
            [pltpu.VMEM((S,), jnp.int32) for _ in range(NBUF)]
            + [pltpu.VMEM((S, HIDDEN), jnp.float32) for _ in range(NBUF)]
            + [pltpu.VMEM((S, HIDDEN), jnp.float32)]
            + [pltpu.SemaphoreType.DMA for _ in range(3 * NBUF)]
        ),
    )
    def emb(ids_hbm, word_hbm, pos_hbm, out_hbm, *scratch):
        idx = scratch[:NBUF]
        rows = scratch[NBUF:2 * NBUF]
        pos_v = scratch[2 * NBUF]
        gsem = scratch[2 * NBUF + 1:2 * NBUF + 1 + NBUF]
        ssem = scratch[2 * NBUF + 1 + NBUF:2 * NBUF + 1 + 2 * NBUF]
        isem = scratch[2 * NBUF + 1 + 2 * NBUF:]

        cid = lax.axis_index("c")
        sid = lax.axis_index("s")
        wid = sid * 2 + cid
        base = wid * n

        pltpu.sync_copy(pos_hbm.at[pl.ds(0, S)], pos_v)

        splits = ((0, 128), (128, 72))

        def start_gathers(bb, c):
            for off, ln in splits:
                pltpu.async_copy(word_hbm.at[idx[bb].at[pl.ds(off, ln)]],
                                 rows[bb].at[pl.ds(off, ln)],
                                 gsem[bb])

        def wait_gathers(bb, c):
            for off, ln in splits:
                pltpu.make_async_copy(
                    word_hbm.at[idx[bb].at[pl.ds(off, ln)]],
                    rows[bb].at[pl.ds(off, ln)],
                    gsem[bb]).wait()

        pltpu.sync_copy(ids_hbm.at[base], idx[0])
        start_gathers(0, base)

        def do_add(rows_b):
            def add_row(i, carry):
                for k in range(NCOL):
                    sl = pl.ds(k * NLANE, NLANE)
                    plsc.addupdate(rows_b.at[i, sl], pos_v[i, sl])
                return carry

            lax.fori_loop(0, S, add_row, 0)

        def when(pred, fn):
            if isinstance(pred, bool):
                if pred:
                    fn()
            else:
                pl.when(pred)(fn)

        def body(g, b):
            nb = (b + 1) % NBUF
            c = base + g
            has_next = g + 1 < n

            def start_idx_copy():
                pltpu.async_copy(ids_hbm.at[c + 1], idx[nb], isem[nb])

            when(has_next, start_idx_copy)

            wait_gathers(b, c)

            def prefetch():
                def drain_scatter():
                    pltpu.make_async_copy(rows[nb], out_hbm.at[c + 1 - NBUF],
                                          ssem[nb]).wait()

                when(g >= NBUF - 1, drain_scatter)
                pltpu.make_async_copy(ids_hbm.at[c + 1], idx[nb],
                                      isem[nb]).wait()
                start_gathers(nb, c + 1)

            when(has_next, prefetch)

            do_add(rows[b])
            pltpu.async_copy(rows[b], out_hbm.at[c], ssem[b])

        def tri(t, carry):
            for b in range(NBUF):
                body(NBUF * t + b, b)
            return carry

        ntri = n // NBUF
        lax.fori_loop(0, ntri, tri, 0)
        for j in range(ntri * NBUF, n):
            body(j, j % NBUF)

        for g in range(n - NBUF, n):
            pltpu.make_async_copy(rows[g % NBUF], out_hbm.at[base + g],
                                  ssem[g % NBUF]).wait()

    return emb


_emb_kernel = _build(32)


def kernel(input_ids, word_emb, pos_emb):
    return _emb_kernel(input_ids.astype(jnp.int32), word_emb, pos_emb)

# --- scband reference (transcript-rebuilt; emitter-appended) ---
"""Pipeline reference for scband-kronos-embeddings-6305011990658 (READ-ONLY COPY).

The authoritative reference and input builder live on the scoring server;
editing this copy changes nothing except your own understanding.
"""

import jax, jax.numpy as jnp
import numpy as np

VOCAB = 100000
HIDDEN = 128
MAX_POS = 512
B, S = 4096, 200

def setup_inputs(seed: int = 0) -> dict:
    key = jax.random.key(seed)
    k1, k2, k3 = jax.random.split(key, 3)
    input_ids = jax.random.randint(k1, (B, S), 0, VOCAB, dtype=jnp.int64 if jax.config.jax_enable_x64 else jnp.int32)
    word_emb = jax.random.normal(k2, (VOCAB, HIDDEN), dtype=jnp.float32) * 0.02
    pos_emb = jax.random.normal(k3, (MAX_POS, HIDDEN), dtype=jnp.float32) * 0.02
    return {"input_ids": input_ids, "word_emb": word_emb, "pos_emb": pos_emb}

def reference(input_ids, word_emb, pos_emb):
    seq_length = input_ids.shape[1]
    position_ids = jnp.arange(seq_length, dtype=input_ids.dtype)
    position_ids = jnp.broadcast_to(position_ids[None, :], input_ids.shape)
    words_embeddings = jnp.take(word_emb, input_ids, axis=0)
    position_embeddings = jnp.take(pos_emb, position_ids, axis=0)
    embeddings = words_embeddings + position_embeddings
    # dropout is identity in eval mode
    return embeddings

if __name__ == "__main__":
    import jax
    _d = setup_inputs()
    print(jax.jit(kernel)(*tuple(_d.values())))

</pallas_src>

<mosaic_0001>
#map = affine_map<(d0, d1) -> (0, 0)>
#map1 = affine_map<(d0, d1) -> (0, 0, 0)>
module attributes {stable_mosaic.version = 14 : i64} {
  func.func @emb(%arg0: i32, %arg1: i32, %arg2: memref<4096x200xi32, #tpu.memory_space<hbm>>, %arg3: memref<100000x128xf32, #tpu.memory_space<hbm>>, %arg4: memref<512x128xf32, #tpu.memory_space<hbm>>, %arg5: memref<4096x200x128xf32, #tpu.memory_space<hbm>>, %arg6: memref<200xi32, #tpu.memory_space<vmem>>, %arg7: memref<200xi32, #tpu.memory_space<vmem>>, %arg8: memref<200xi32, #tpu.memory_space<vmem>>, %arg9: memref<200x128xf32, #tpu.memory_space<vmem>>, %arg10: memref<200x128xf32, #tpu.memory_space<vmem>>, %arg11: memref<200x128xf32, #tpu.memory_space<vmem>>, %arg12: memref<200x128xf32, #tpu.memory_space<vmem>>, %arg13: memref<!tpu.dma_semaphore, #tpu.memory_space<semaphore_mem>>, %arg14: memref<!tpu.dma_semaphore, #tpu.memory_space<semaphore_mem>>, %arg15: memref<!tpu.dma_semaphore, #tpu.memory_space<semaphore_mem>>, %arg16: memref<!tpu.dma_semaphore, #tpu.memory_space<semaphore_mem>>, %arg17: memref<!tpu.dma_semaphore, #tpu.memory_space<semaphore_mem>>, %arg18: memref<!tpu.dma_semaphore, #tpu.memory_space<semaphore_mem>>, %arg19: memref<!tpu.dma_semaphore, #tpu.memory_space<semaphore_mem>>, %arg20: memref<!tpu.dma_semaphore, #tpu.memory_space<semaphore_mem>>, %arg21: memref<!tpu.dma_semaphore, #tpu.memory_space<semaphore_mem>>) attributes {dimension_semantics = [#tpu.dimension_semantics<core_parallel>, #tpu.dimension_semantics<subcore_parallel>], iteration_bounds = array<i64: 2, 16>, scalar_prefetch = 0 : i64, scratch_operands = 16 : i64, tpu.core_type = #tpu.core_type<sc_vector_subcore>, window_params = [{transform_indices = #map}, {transform_indices = #map}, {transform_indices = #map}, {transform_indices = #map1}]} {
    %mul3A = arith.constant 2 : i32
    %mul3A_0 = arith.muli %arg1, %mul3A : i32
    %add3A = arith.addi %mul3A_0, %arg0 : i32
    %mul3A_1 = arith.constant 128 : i32
    %mul3A_2 = arith.muli %add3A, %mul3A_1 : i32
    "tpu.region"() ({
      %run_scoped3A = tpu.sem_alloc : memref<!tpu.dma_semaphore, #tpu.memory_space<semaphore_mem>>
      %dma_start3A_161 = arith.constant 0 : i32
      %dma_start3A_162 = arith.constant 0 : i32
      %dma_start3A_163 = tpu.memref_slice %arg4[%dma_start3A_161, %dma_start3A_162] : memref<512x128xf32, #tpu.memory_space<hbm>> -> memref<200x128xf32, #tpu.memory_space<hbm>>
      %dma_start3A_164 = arith.constant 0 : i32
      %dma_start3A_165 = arith.constant 0 : i32
      %dma_start3A_166 = tpu.memref_slice %arg4[%dma_start3A_164, %dma_start3A_165] : memref<512x128xf32, #tpu.memory_space<hbm>> -> memref<200x128xf32, #tpu.memory_space<hbm>>
      tpu.enqueue_dma source(%dma_start3A_166 : memref<200x128xf32, #tpu.memory_space<hbm>>) target(%arg12 : memref<200x128xf32, #tpu.memory_space<vmem>>) target_semaphore(%run_scoped3A : memref<!tpu.dma_semaphore, #tpu.memory_space<semaphore_mem>>)
      %dma_wait3A_167 = arith.constant 0 : i32
      %dma_wait3A_168 = arith.constant 0 : i32
      %dma_wait3A_169 = tpu.memref_slice %arg4[%dma_wait3A_167, %dma_wait3A_168] : memref<512x128xf32, #tpu.memory_space<hbm>> -> memref<200x128xf32, #tpu.memory_space<hbm>>
      %dma_wait3A_170 = arith.constant 0 : i32
      %dma_wait3A_171 = arith.constant 0 : i32
      %dma_wait3A_172 = tpu.memref_slice %arg4[%dma_wait3A_170, %dma_wait3A_171] : memref<512x128xf32, #tpu.memory_space<hbm>> -> memref<200x128xf32, #tpu.memory_space<hbm>>
      tpu.wait_dma2 semaphore(%run_scoped3A : memref<!tpu.dma_semaphore, #tpu.memory_space<semaphore_mem>>) src(%dma_wait3A_172 : memref<200x128xf32, #tpu.memory_space<hbm>>) dst(%arg12 : memref<200x128xf32, #tpu.memory_space<vmem>>)
      tpu.yield
    }) : () -> ()
    "tpu.region"() ({
      %run_scoped3A = tpu.sem_alloc : memref<!tpu.dma_semaphore, #tpu.memory_space<semaphore_mem>>
      %dma_start3A_161 = arith.constant 0 : i32
      %dma_start3A_162 = tpu.memref_slice %arg2[%mul3A_2, %dma_start3A_161] : memref<4096x200xi32, #tpu.memory_space<hbm>> -> memref<1x200xi32, #tpu.memory_space<hbm>>
      %dma_start3A_163 = tpu.memref_squeeze %dma_start3A_162 : memref<1x200xi32, #tpu.memory_space<hbm>> -> memref<200xi32, #tpu.memory_space<hbm>>
      %dma_start3A_164 = arith.constant 0 : i32
      %dma_start3A_165 = tpu.memref_slice %arg2[%mul3A_2, %dma_start3A_164] : memref<4096x200xi32, #tpu.memory_space<hbm>> -> memref<1x200xi32, #tpu.memory_space<hbm>>
      %dma_start3A_166 = tpu.memref_squeeze %dma_start3A_165 : memref<1x200xi32, #tpu.memory_space<hbm>> -> memref<200xi32, #tpu.memory_space<hbm>>
      tpu.enqueue_dma source(%dma_start3A_166 : memref<200xi32, #tpu.memory_space<hbm>>) target(%arg6 : memref<200xi32, #tpu.memory_space<vmem>>) target_semaphore(%run_scoped3A : memref<!tpu.dma_semaphore, #tpu.memory_space<semaphore_mem>>)
      %dma_wait3A_167 = arith.constant 0 : i32
      %dma_wait3A_168 = tpu.memref_slice %arg2[%mul3A_2, %dma_wait3A_167] : memref<4096x200xi32, #tpu.memory_space<hbm>> -> memref<1x200xi32, #tpu.memory_space<hbm>>
      %dma_wait3A_169 = tpu.memref_squeeze %dma_wait3A_168 : memref<1x200xi32, #tpu.memory_space<hbm>> -> memref<200xi32, #tpu.memory_space<hbm>>
      %dma_wait3A_170 = arith.constant 0 : i32
      %dma_wait3A_171 = tpu.memref_slice %arg2[%mul3A_2, %dma_wait3A_170] : memref<4096x200xi32, #tpu.memory_space<hbm>> -> memref<1x200xi32, #tpu.memory_space<hbm>>
      %dma_wait3A_172 = tpu.memref_squeeze %dma_wait3A_171 : memref<1x200xi32, #tpu.memory_space<hbm>> -> memref<200xi32, #tpu.memory_space<hbm>>
      tpu.wait_dma2 semaphore(%run_scoped3A : memref<!tpu.dma_semaphore, #tpu.memory_space<semaphore_mem>>) src(%dma_wait3A_172 : memref<200xi32, #tpu.memory_space<hbm>>) dst(%arg6 : memref<200xi32, #tpu.memory_space<vmem>>)
      tpu.yield
    }) : () -> ()
    %dma_start3A = arith.constant 0 : i32
    %dma_start3A_3 = arith.constant 0 : i32
    %dma_start3A_4 = tpu.memref_slice %arg9[%dma_start3A, %dma_start3A_3] : memref<200x128xf32, #tpu.memory_space<vmem>> -> memref<128x128xf32, #tpu.memory_space<vmem>>
    %dma_start3A_5 = arith.constant 0 : i32
    %dma_start3A_6 = tpu.memref_slice %arg6[%dma_start3A_5] : memref<200xi32, #tpu.memory_space<vmem>> -> memref<128xi32, #tpu.memory_space<vmem>>
    %dma_start3A_7 = arith.constant 0 : i32
    %dma_start3A_8 = arith.constant 0 : i32
    %dma_start3A_9 = tpu.memref_slice %arg3[%dma_start3A_7, %dma_start3A_8] : memref<100000x128xf32, #tpu.memory_space<hbm>> -> memref<100000x128xf32, #tpu.memory_space<hbm>>
    tpu.enqueue_indirect_dma source(%dma_start3A_9 : memref<100000x128xf32, #tpu.memory_space<hbm>>) target(%dma_start3A_4 : memref<128x128xf32, #tpu.memory_space<vmem>>) offsets(%dma_start3A_6 : memref<128xi32, #tpu.memory_space<vmem>>) semaphore(%arg13 : memref<!tpu.dma_semaphore, #tpu.memory_space<semaphore_mem>>)
    %dma_start3A_10 = arith.constant 128 : i32
    %dma_start3A_11 = arith.constant 0 : i32
    %dma_start3A_12 = tpu.memref_slice %arg9[%dma_start3A_10, %dma_start3A_11] : memref<200x128xf32, #tpu.memory_space<vmem>> -> memref<72x128xf32, #tpu.memory_space<vmem>>
    %dma_start3A_13 = arith.constant 128 : i32
    %dma_start3A_14 = tpu.memref_slice %arg6[%dma_start3A_13] : memref<200xi32, #tpu.memory_space<vmem>> -> memref<72xi32, #tpu.memory_space<vmem>>
    %dma_start3A_15 = arith.constant 0 : i32
    %dma_start3A_16 = arith.constant 0 : i32
    %dma_start3A_17 = tpu.memref_slice %arg3[%dma_start3A_15, %dma_start3A_16] : memref<100000x128xf32, #tpu.memory_space<hbm>> -> memref<100000x128xf32, #tpu.memory_space<hbm>>
    tpu.enqueue_indirect_dma source(%dma_start3A_17 : memref<100000x128xf32, #tpu.memory_space<hbm>>) target(%dma_start3A_12 : memref<72x128xf32, #tpu.memory_space<vmem>>) offsets(%dma_start3A_14 : memref<72xi32, #tpu.memory_space<vmem>>) semaphore(%arg13 : memref<!tpu.dma_semaphore, #tpu.memory_space<semaphore_mem>>)
    %scan3A = arith.constant 0 : i32
    %scan3A_18 = arith.constant 0 : i32
    %scan3A_19 = arith.constant 42 : i32
    %scan3A_20 = arith.addi %scan3A_18, %scan3A_19 : i32
    %scan3A_21 = arith.constant 1 : i32
    scf.for %scan3A_161 = %scan3A_18 to %scan3A_20 step %scan3A_21  : i32 {
      %mul3A_162 = arith.constant 3 : i32
      %mul3A_163 = arith.muli %mul3A_162, %scan3A_161 : i32
      %add3A_164 = arith.constant 0 : i32
      %add3A_165 = arith.addi %mul3A_163, %add3A_164 : i32
      %add3A_166 = arith.addi %mul3A_2, %add3A_165 : i32
      %add3A_167 = arith.constant 1 : i32
      %add3A_168 = arith.addi %add3A_165, %add3A_167 : i32
      %lt3A = arith.constant 128 : i32
      %lt3A_169 = arith.cmpi slt, %add3A_168, %lt3A : i32
      %convert_element_type3A = arith.extui %lt3A_169 : i1 to i32
      %cond3A = arith.constant 0 : i32
      %cond3A_170 = arith.cmpi ne, %convert_element_type3A, %cond3A : i32
      scf.if %cond3A_170 {
        %add3A_294 = arith.constant 1 : i32
        %add3A_295 = arith.addi %add3A_166, %add3A_294 : i32
        %dma_start3A_296 = arith.constant 0 : i32
        %dma_start3A_297 = tpu.memref_slice %arg2[%add3A_295, %dma_start3A_296] : memref<4096x200xi32, #tpu.memory_space<hbm>> -> memref<1x200xi32, #tpu.memory_space<hbm>>
        %dma_start3A_298 = tpu.memref_squeeze %dma_start3A_297 : memref<1x200xi32, #tpu.memory_space<hbm>> -> memref<200xi32, #tpu.memory_space<hbm>>
        %dma_start3A_299 = arith.constant 0 : i32
        %dma_start3A_300 = tpu.memref_slice %arg2[%add3A_295, %dma_start3A_299] : memref<4096x200xi32, #tpu.memory_space<hbm>> -> memref<1x200xi32, #tpu.memory_space<hbm>>
        %dma_start3A_301 = tpu.memref_squeeze %dma_start3A_300 : memref<1x200xi32, #tpu.memory_space<hbm>> -> memref<200xi32, #tpu.memory_space<hbm>>
        tpu.enqueue_dma source(%dma_start3A_301 : memref<200xi32, #tpu.memory_space<hbm>>) target(%arg7 : memref<200xi32, #tpu.memory_space<vmem>>) target_semaphore(%arg20 : memref<!tpu.dma_semaphore, #tpu.memory_space<semaphore_mem>>)
      } else {
      }
      %dma_wait3A_171 = arith.constant 0 : i32
      %dma_wait3A_172 = arith.constant 0 : i32
      %dma_wait3A_173 = tpu.memref_slice %arg9[%dma_wait3A_171, %dma_wait3A_172] : memref<200x128xf32, #tpu.memory_space<vmem>> -> memref<128x128xf32, #tpu.memory_space<vmem>>
      %dma_wait3A_174 = arith.constant 0 : i32
      %dma_wait3A_175 = tpu.memref_slice %arg6[%dma_wait3A_174] : memref<200xi32, #tpu.memory_space<vmem>> -> memref<128xi32, #tpu.memory_space<vmem>>
      %dma_wait3A_176 = arith.constant 0 : i32
      %dma_wait3A_177 = arith.constant 0 : i32
      %dma_wait3A_178 = tpu.memref_slice %arg3[%dma_wait3A_176, %dma_wait3A_177] : memref<100000x128xf32, #tpu.memory_space<hbm>> -> memref<100000x128xf32, #tpu.memory_space<hbm>>
      tpu.wait_indirect_dma semaphore(%arg13 : memref<!tpu.dma_semaphore, #tpu.memory_space<semaphore_mem>>) src(%dma_wait3A_178 : memref<100000x128xf32, #tpu.memory_space<hbm>>) dst(%dma_wait3A_173 : memref<128x128xf32, #tpu.memory_space<vmem>>)
      %dma_wait3A_179 = arith.constant 128 : i32
      %dma_wait3A_180 = arith.constant 0 : i32
      %dma_wait3A_181 = tpu.memref_slice %arg9[%dma_wait3A_179, %dma_wait3A_180] : memref<200x128xf32, #tpu.memory_space<vmem>> -> memref<72x128xf32, #tpu.memory_space<vmem>>
      %dma_wait3A_182 = arith.constant 128 : i32
      %dma_wait3A_183 = tpu.memref_slice %arg6[%dma_wait3A_182] : memref<200xi32, #tpu.memory_space<vmem>> -> memref<72xi32, #tpu.memory_space<vmem>>
      %dma_wait3A_184 = arith.constant 0 : i32
      %dma_wait3A_185 = arith.constant 0 : i32
      %dma_wait3A_186 = tpu.memref_slice %arg3[%dma_wait3A_184, %dma_wait3A_185] : memref<100000x128xf32, #tpu.memory_space<hbm>> -> memref<100000x128xf32, #tpu.memory_space<hbm>>
      tpu.wait_indirect_dma semaphore(%arg13 : memref<!tpu.dma_semaphore, #tpu.memory_space<semaphore_mem>>) src(%dma_wait3A_186 : memref<100000x128xf32, #tpu.memory_space<hbm>>) dst(%dma_wait3A_181 : memref<72x128xf32, #tpu.memory_space<vmem>>)
      %convert_element_type3A_187 = arith.extui %lt3A_169 : i1 to i32
      %cond3A_188 = arith.constant 0 : i32
      %cond3A_189 = arith.cmpi ne, %convert_element_type3A_187, %cond3A_188 : i32
      scf.if %cond3A_189 {
        %ge3A = arith.constant 2 : i32
        %ge3A_294 = arith.cmpi sge, %add3A_165, %ge3A : i32
        %convert_element_type3A_295 = arith.extui %ge3A_294 : i1 to i32
        %cond3A_296 = arith.constant 0 : i32
        %cond3A_297 = arith.cmpi ne, %convert_element_type3A_295, %cond3A_296 : i32
        scf.if %cond3A_297 {
          %add3A_324 = arith.constant 1 : i32
          %add3A_325 = arith.addi %add3A_166, %add3A_324 : i32
          %sub3A_326 = arith.constant 3 : i32
          %sub3A_327 = arith.subi %add3A_325, %sub3A_326 : i32
          %dma_wait3A_328 = arith.constant 0 : i32
          %dma_wait3A_329 = arith.constant 0 : i32
          %dma_wait3A_330 = tpu.memref_slice %arg5[%sub3A_327, %dma_wait3A_328, %dma_wait3A_329] : memref<4096x200x128xf32, #tpu.memory_space<hbm>> -> memref<1x200x128xf32, #tpu.memory_space<hbm>>
          %dma_wait3A_331 = tpu.memref_squeeze %dma_wait3A_330 : memref<1x200x128xf32, #tpu.memory_space<hbm>> -> memref<200x128xf32, #tpu.memory_space<hbm>>
          %dma_wait3A_332 = arith.constant 0 : i32
          %dma_wait3A_333 = arith.constant 0 : i32
          %dma_wait3A_334 = tpu.memref_slice %arg5[%sub3A_327, %dma_wait3A_332, %dma_wait3A_333] : memref<4096x200x128xf32, #tpu.memory_space<hbm>> -> memref<1x200x128xf32, #tpu.memory_space<hbm>>
          %dma_wait3A_335 = tpu.memref_squeeze %dma_wait3A_334 : memref<1x200x128xf32, #tpu.memory_space<hbm>> -> memref<200x128xf32, #tpu.memory_space<hbm>>
          tpu.wait_dma2 semaphore(%arg17 : memref<!tpu.dma_semaphore, #tpu.memory_space<semaphore_mem>>) src(%arg10 : memref<200x128xf32, #tpu.memory_space<vmem>>) dst(%dma_wait3A_335 : memref<200x128xf32, #tpu.memory_space<hbm>>)
        } else {
        }
        %add3A_298 = arith.constant 1 : i32
        %add3A_299 = arith.addi %add3A_166, %add3A_298 : i32
        %dma_wait3A_300 = arith.constant 0 : i32
        %dma_wait3A_301 = tpu.memref_slice %arg2[%add3A_299, %dma_wait3A_300] : memref<4096x200xi32, #tpu.memory_space<hbm>> -> memref<1x200xi32, #tpu.memory_space<hbm>>
        %dma_wait3A_302 = tpu.memref_squeeze %dma_wait3A_301 : memref<1x200xi32, #tpu.memory_space<hbm>> -> memref<200xi32, #tpu.memory_space<hbm>>
        %dma_wait3A_303 = arith.constant 0 : i32
        %dma_wait3A_304 = tpu.memref_slice %arg2[%add3A_299, %dma_wait3A_303] : memref<4096x200xi32, #tpu.memory_space<hbm>> -> memref<1x200xi32, #tpu.memory_space<hbm>>
        %dma_wait3A_305 = tpu.memref_squeeze %dma_wait3A_304 : memref<1x200xi32, #tpu.memory_space<hbm>> -> memref<200xi32, #tpu.memory_space<hbm>>
        tpu.wait_dma2 semaphore(%arg20 : memref<!tpu.dma_semaphore, #tpu.memory_space<semaphore_mem>>) src(%dma_wait3A_305 : memref<200xi32, #tpu.memory_space<hbm>>) dst(%arg7 : memref<200xi32, #tpu.memory_space<vmem>>)
        %add3A_306 = arith.constant 1 : i32
        %add3A_307 = arith.addi %add3A_166, %add3A_306 : i32
        %dma_start3A_308 = arith.constant 0 : i32
        %dma_start3A_309 = arith.constant 0 : i32
        %dma_start3A_310 = tpu.memref_slice %arg10[%dma_start3A_308, %dma_start3A_309] : memref<200x128xf32, #tpu.memory_space<vmem>> -> memref<128x128xf32, #tpu.memory_space<vmem>>
        %dma_start3A_311 = arith.constant 0 : i32
        %dma_start3A_312 = tpu.memref_slice %arg7[%dma_start3A_311] : memref<200xi32, #tpu.memory_space<vmem>> -> memref<128xi32, #tpu.memory_space<vmem>>
        %dma_start3A_313 = arith.constant 0 : i32
        %dma_start3A_314 = arith.constant 0 : i32
        %dma_start3A_315 = tpu.memref_slice %arg3[%dma_start3A_313, %dma_start3A_314] : memref<100000x128xf32, #tpu.memory_space<hbm>> -> memref<100000x128xf32, #tpu.memory_space<hbm>>
        tpu.enqueue_indirect_dma source(%dma_start3A_315 : memref<100000x128xf32, #tpu.memory_space<hbm>>) target(%dma_start3A_310 : memref<128x128xf32, #tpu.memory_space<vmem>>) offsets(%dma_start3A_312 : memref<128xi32, #tpu.memory_space<vmem>>) semaphore(%arg14 : memref<!tpu.dma_semaphore, #tpu.memory_space<semaphore_mem>>)
        %dma_start3A_316 = arith.constant 128 : i32
        %dma_start3A_317 = arith.constant 0 : i32
        %dma_start3A_318 = tpu.memref_slice %arg10[%dma_start3A_316, %dma_start3A_317] : memref<200x128xf32, #tpu.memory_space<vmem>> -> memref<72x128xf32, #tpu.memory_space<vmem>>
        %dma_start3A_319 = arith.constant 128 : i32
        %dma_start3A_320 = tpu.memref_slice %arg7[%dma_start3A_319] : memref<200xi32, #tpu.memory_space<vmem>> -> memref<72xi32, #tpu.memory_space<vmem>>
        %dma_start3A_321 = arith.constant 0 : i32
        %dma_start3A_322 = arith.constant 0 : i32
        %dma_start3A_323 = tpu.memref_slice %arg3[%dma_start3A_321, %dma_start3A_322] : memref<100000x128xf32, #tpu.memory_space<hbm>> -> memref<100000x128xf32, #tpu.memory_space<hbm>>
        tpu.enqueue_indirect_dma source(%dma_start3A_323 : memref<100000x128xf32, #tpu.memory_space<hbm>>) target(%dma_start3A_318 : memref<72x128xf32, #tpu.memory_space<vmem>>) offsets(%dma_start3A_320 : memref<72xi32, #tpu.memory_space<vmem>>) semaphore(%arg14 : memref<!tpu.dma_semaphore, #tpu.memory_space<semaphore_mem>>)
      } else {
      }
      %scan3A_190 = arith.constant 0 : i32
      %scan3A_191 = arith.constant 0 : i32
      %scan3A_192 = arith.constant 200 : i32
      %scan3A_193 = arith.addi %scan3A_191, %scan3A_192 : i32
      %scan3A_194 = arith.constant 1 : i32
      scf.for %scan3A_294 = %scan3A_191 to %scan3A_193 step %scan3A_194  : i32 {
        %get3A = arith.index_cast %scan3A_294 : i32 to index
        %get3A_295 = arith.constant 0 : index
        %get3A_296 = tpu.vector_load %arg12[%get3A, %get3A_295] {strides = array<i32>} : memref<200x128xf32, #tpu.memory_space<vmem>>, vector<1x16xf32>,
        %get3A_297 = vector.shape_cast %get3A_296 : vector<1x16xf32> to vector<16xf32>
        %swap3A = arith.index_cast %scan3A_294 : i32 to index
        %swap3A_298 = arith.constant 0 : index
        %swap3A_299 = tpu.vector_load %arg9[%swap3A, %swap3A_298] {strides = array<i32>} : memref<200x128xf32, #tpu.memory_space<vmem>>, vector<1x16xf32>,
        %swap3A_300 = vector.shape_cast %swap3A_299 : vector<1x16xf32> to vector<16xf32>
        %swap3A_301 = vector.shape_cast %get3A_297 : vector<16xf32> to vector<1x16xf32>
        tpu.vector_store %arg9[%swap3A, %swap3A_298], %swap3A_301 {add = true, strides = array<i32>} : memref<200x128xf32, #tpu.memory_space<vmem>>, vector<1x16xf32>,
        %get3A_302 = arith.index_cast %scan3A_294 : i32 to index
        %get3A_303 = arith.constant 16 : index
        %get3A_304 = tpu.vector_load %arg12[%get3A_302, %get3A_303] {strides = array<i32>} : memref<200x128xf32, #tpu.memory_space<vmem>>, vector<1x16xf32>,
        %get3A_305 = vector.shape_cast %get3A_304 : vector<1x16xf32> to vector<16xf32>
        %swap3A_306 = arith.index_cast %scan3A_294 : i32 to index
        %swap3A_307 = arith.constant 16 : index
        %swap3A_308 = tpu.vector_load %arg9[%swap3A_306, %swap3A_307] {strides = array<i32>} : memref<200x128xf32, #tpu.memory_space<vmem>>, vector<1x16xf32>,
        %swap3A_309 = vector.shape_cast %swap3A_308 : vector<1x16xf32> to vector<16xf32>
        %swap3A_310 = vector.shape_cast %get3A_305 : vector<16xf32> to vector<1x16xf32>
        tpu.vector_store %arg9[%swap3A_306, %swap3A_307], %swap3A_310 {add = true, strides = array<i32>} : memref<200x128xf32, #tpu.memory_space<vmem>>, vector<1x16xf32>,
        %get3A_311 = arith.index_cast %scan3A_294 : i32 to index
        %get3A_312 = arith.constant 32 : index
        %get3A_313 = tpu.vector_load %arg12[%get3A_311, %get3A_312] {strides = array<i32>} : memref<200x128xf32, #tpu.memory_space<vmem>>, vector<1x16xf32>,
        %get3A_314 = vector.shape_cast %get3A_313 : vector<1x16xf32> to vector<16xf32>
        %swap3A_315 = arith.index_cast %scan3A_294 : i32 to index
        %swap3A_316 = arith.constant 32 : index
        %swap3A_317 = tpu.vector_load %arg9[%swap3A_315, %swap3A_316] {strides = array<i32>} : memref<200x128xf32, #tpu.memory_space<vmem>>, vector<1x16xf32>,
        %swap3A_318 = vector.shape_cast %swap3A_317 : vector<1x16xf32> to vector<16xf32>
        %swap3A_319 = vector.shape_cast %get3A_314 : vector<16xf32> to vector<1x16xf32>
        tpu.vector_store %arg9[%swap3A_315, %swap3A_316], %swap3A_319 {add = true, strides = array<i32>} : memref<200x128xf32, #tpu.memory_space<vmem>>, vector<1x16xf32>,
        %get3A_320 = arith.index_cast %scan3A_294 : i32 to index
        %get3A_321 = arith.constant 48 : index
        %get3A_322 = tpu.vector_load %arg12[%get3A_320, %get3A_321] {strides = array<i32>} : memref<200x128xf32, #tpu.memory_space<vmem>>, vector<1x16xf32>,
        %get3A_323 = vector.shape_cast %get3A_322 : vector<1x16xf32> to vector<16xf32>
        %swap3A_324 = arith.index_cast %scan3A_294 : i32 to index
        %swap3A_325 = arith.constant 48 : index
        %swap3A_326 = tpu.vector_load %arg9[%swap3A_324, %swap3A_325] {strides = array<i32>} : memref<200x128xf32, #tpu.memory_space<vmem>>, vector<1x16xf32>,
        %swap3A_327 = vector.shape_cast %swap3A_326 : vector<1x16xf32> to vector<16xf32>
        %swap3A_328 = vector.shape_cast %get3A_323 : vector<16xf32> to vector<1x16xf32>
        tpu.vector_store %arg9[%swap3A_324, %swap3A_325], %swap3A_328 {add = true, strides = array<i32>} : memref<200x128xf32, #tpu.memory_space<vmem>>, vector<1x16xf32>,
        %get3A_329 = arith.index_cast %scan3A_294 : i32 to index
        %get3A_330 = arith.constant 64 : index
        %get3A_331 = tpu.vector_load %arg12[%get3A_329, %get3A_330] {strides = array<i32>} : memref<200x128xf32, #tpu.memory_space<vmem>>, vector<1x16xf32>,
        %get3A_332 = vector.shape_cast %get3A_331 : vector<1x16xf32> to vector<16xf32>
        %swap3A_333 = arith.index_cast %scan3A_294 : i32 to index
        %swap3A_334 = arith.constant 64 : index
        %swap3A_335 = tpu.vector_load %arg9[%swap3A_333, %swap3A_334] {strides = array<i32>} : memref<200x128xf32, #tpu.memory_space<vmem>>, vector<1x16xf32>,
        %swap3A_336 = vector.shape_cast %swap3A_335 : vector<1x16xf32> to vector<16xf32>
        %swap3A_337 = vector.shape_cast %get3A_332 : vector<16xf32> to vector<1x16xf32>
        tpu.vector_store %arg9[%swap3A_333, %swap3A_334], %swap3A_337 {add = true, strides = array<i32>} : memref<200x128xf32, #tpu.memory_space<vmem>>, vector<1x16xf32>,
        %get3A_338 = arith.index_cast %scan3A_294 : i32 to index
        %get3A_339 = arith.constant 80 : index
        %get3A_340 = tpu.vector_load %arg12[%get3A_338, %get3A_339] {strides = array<i32>} : memref<200x128xf32, #tpu.memory_space<vmem>>, vector<1x16xf32>,
        %get3A_341 = vector.shape_cast %get3A_340 : vector<1x16xf32> to vector<16xf32>
        %swap3A_342 = arith.index_cast %scan3A_294 : i32 to index
        %swap3A_343 = arith.constant 80 : index
        %swap3A_344 = tpu.vector_load %arg9[%swap3A_342, %swap3A_343] {strides = array<i32>} : memref<200x128xf32, #tpu.memory_space<vmem>>, vector<1x16xf32>,
        %swap3A_345 = vector.shape_cast %swap3A_344 : vector<1x16xf32> to vector<16xf32>
        %swap3A_346 = vector.shape_cast %get3A_341 : vector<16xf32> to vector<1x16xf32>
        tpu.vector_store %arg9[%swap3A_342, %swap3A_343], %swap3A_346 {add = true, strides = array<i32>} : memref<200x128xf32, #tpu.memory_space<vmem>>, vector<1x16xf32>,
        %get3A_347 = arith.index_cast %scan3A_294 : i32 to index
        %get3A_348 = arith.constant 96 : index
        %get3A_349 = tpu.vector_load %arg12[%get3A_347, %get3A_348] {strides = array<i32>} : memref<200x128xf32, #tpu.memory_space<vmem>>, vector<1x16xf32>,
        %get3A_350 = vector.shape_cast %get3A_349 : vector<1x16xf32> to vector<16xf32>
        %swap3A_351 = arith.index_cast %scan3A_294 : i32 to index
        %swap3A_352 = arith.constant 96 : index
        %swap3A_353 = tpu.vector_load %arg9[%swap3A_351, %swap3A_352] {strides = array<i32>} : memref<200x128xf32, #tpu.memory_space<vmem>>, vector<1x16xf32>,
        %swap3A_354 = vector.shape_cast %swap3A_353 : vector<1x16xf32> to vector<16xf32>
        %swap3A_355 = vector.shape_cast %get3A_350 : vector<16xf32> to vector<1x16xf32>
        tpu.vector_store %arg9[%swap3A_351, %swap3A_352], %swap3A_355 {add = true, strides = array<i32>} : memref<200x128xf32, #tpu.memory_space<vmem>>, vector<1x16xf32>,
        %get3A_356 = arith.index_cast %scan3A_294 : i32 to index
        %get3A_357 = arith.constant 112 : index
        %get3A_358 = tpu.vector_load %arg12[%get3A_356, %get3A_357] {strides = array<i32>} : memref<200x128xf32, #tpu.memory_space<vmem>>, vector<1x16xf32>,
        %get3A_359 = vector.shape_cast %get3A_358 : vector<1x16xf32> to vector<16xf32>
        %swap3A_360 = arith.index_cast %scan3A_294 : i32 to index
        %swap3A_361 = arith.constant 112 : index
        %swap3A_362 = tpu.vector_load %arg9[%swap3A_360, %swap3A_361] {strides = array<i32>} : memref<200x128xf32, #tpu.memory_space<vmem>>, vector<1x16xf32>,
        %swap3A_363 = vector.shape_cast %swap3A_362 : vector<1x16xf32> to vector<16xf32>
        %swap3A_364 = vector.shape_cast %get3A_359 : vector<16xf32> to vector<1x16xf32>
        tpu.vector_store %arg9[%swap3A_360, %swap3A_361], %swap3A_364 {add = true, strides = array<i32>} : memref<200x128xf32, #tpu.memory_space<vmem>>, vector<1x16xf32>,
      }
      %scan3A_195 = arith.constant 200 : i32
      %dma_start3A_196 = arith.constant 0 : i32
      %dma_start3A_197 = arith.constant 0 : i32
      %dma_start3A_198 = tpu.memref_slice %arg5[%add3A_166, %dma_start3A_196, %dma_start3A_197] : memref<4096x200x128xf32, #tpu.memory_space<hbm>> -> memref<1x200x128xf32, #tpu.memory_space<hbm>>
      %dma_start3A_199 = tpu.memref_squeeze %dma_start3A_198 : memref<1x200x128xf32, #tpu.memory_space<hbm>> -> memref<200x128xf32, #tpu.memory_space<hbm>>
      %dma_start3A_200 = arith.constant 0 : i32
      %dma_start3A_201 = arith.constant 0 : i32
      %dma_start3A_202 = tpu.memref_slice %arg5[%add3A_166, %dma_start3A_200, %dma_start3A_201] : memref<4096x200x128xf32, #tpu.memory_space<hbm>> -> memref<1x200x128xf32, #tpu.memory_space<hbm>>
      %dma_start3A_203 = tpu.memref_squeeze %dma_start3A_202 : memref<1x200x128xf32, #tpu.memory_space<hbm>> -> memref<200x128xf32, #tpu.memory_space<hbm>>
      tpu.enqueue_dma source(%arg9 : memref<200x128xf32, #tpu.memory_space<vmem>>) target(%dma_start3A_203 : memref<200x128xf32, #tpu.memory_space<hbm>>) target_semaphore(%arg16 : memref<!tpu.dma_semaphore, #tpu.memory_space<semaphore_mem>>)
      %mul3A_204 = arith.constant 3 : i32
      %mul3A_205 = arith.muli %mul3A_204, %scan3A_161 : i32
      %add3A_206 = arith.constant 1 : i32
      %add3A_207 = arith.addi %mul3A_205, %add3A_206 : i32
      %add3A_208 = arith.addi %mul3A_2, %add3A_207 : i32
      %add3A_209 = arith.constant 1 : i32
      %add3A_210 = arith.addi %add3A_207, %add3A_209 : i32
      %lt3A_211 = arith.constant 128 : i32
      %lt3A_212 = arith.cmpi slt, %add3A_210, %lt3A_211 : i32
      %convert_element_type3A_213 = arith.extui %lt3A_212 : i1 to i32
      %cond3A_214 = arith.constant 0 : i32
      %cond3A_215 = arith.cmpi ne, %convert_element_type3A_213, %cond3A_214 : i32
      scf.if %cond3A_215 {
        %add3A_294 = arith.constant 1 : i32
        %add3A_295 = arith.addi %add3A_208, %add3A_294 : i32
        %dma_start3A_296 = arith.constant 0 : i32
        %dma_start3A_297 = tpu.memref_slice %arg2[%add3A_295, %dma_start3A_296] : memref<4096x200xi32, #tpu.memory_space<hbm>> -> memref<1x200xi32, #tpu.memory_space<hbm>>
        %dma_start3A_298 = tpu.memref_squeeze %dma_start3A_297 : memref<1x200xi32, #tpu.memory_space<hbm>> -> memref<200xi32, #tpu.memory_space<hbm>>
        %dma_start3A_299 = arith.constant 0 : i32
        %dma_start3A_300 = tpu.memref_slice %arg2[%add3A_295, %dma_start3A_299] : memref<4096x200xi32, #tpu.memory_space<hbm>> -> memref<1x200xi32, #tpu.memory_space<hbm>>
        %dma_start3A_301 = tpu.memref_squeeze %dma_start3A_300 : memref<1x200xi32, #tpu.memory_space<hbm>> -> memref<200xi32, #tpu.memory_space<hbm>>
        tpu.enqueue_dma source(%dma_start3A_301 : memref<200xi32, #tpu.memory_space<hbm>>) target(%arg8 : memref<200xi32, #tpu.memory_space<vmem>>) target_semaphore(%arg21 : memref<!tpu.dma_semaphore, #tpu.memory_space<semaphore_mem>>)
      } else {
      }
      %dma_wait3A_216 = arith.constant 0 : i32
      %dma_wait3A_217 = arith.constant 0 : i32
      %dma_wait3A_218 = tpu.memref_slice %arg10[%dma_wait3A_216, %dma_wait3A_217] : memref<200x128xf32, #tpu.memory_space<vmem>> -> memref<128x128xf32, #tpu.memory_space<vmem>>
      %dma_wait3A_219 = arith.constant 0 : i32
      %dma_wait3A_220 = tpu.memref_slice %arg7[%dma_wait3A_219] : memref<200xi32, #tpu.memory_space<vmem>> -> memref<128xi32, #tpu.memory_space<vmem>>
      %dma_wait3A_221 = arith.constant 0 : i32
      %dma_wait3A_222 = arith.constant 0 : i32
      %dma_wait3A_223 = tpu.memref_slice %arg3[%dma_wait3A_221, %dma_wait3A_222] : memref<100000x128xf32, #tpu.memory_space<hbm>> -> memref<100000x128xf32, #tpu.memory_space<hbm>>
      tpu.wait_indirect_dma semaphore(%arg14 : memref<!tpu.dma_semaphore, #tpu.memory_space<semaphore_mem>>) src(%dma_wait3A_223 : memref<100000x128xf32, #tpu.memory_space<hbm>>) dst(%dma_wait3A_218 : memref<128x128xf32, #tpu.memory_space<vmem>>)
      %dma_wait3A_224 = arith.constant 128 : i32
      %dma_wait3A_225 = arith.constant 0 : i32
      %dma_wait3A_226 = tpu.memref_slice %arg10[%dma_wait3A_224, %dma_wait3A_225] : memref<200x128xf32, #tpu.memory_space<vmem>> -> memref<72x128xf32, #tpu.memory_space<vmem>>
      %dma_wait3A_227 = arith.constant 128 : i32
      %dma_wait3A_228 = tpu.memref_slice %arg7[%dma_wait3A_227] : memref<200xi32, #tpu.memory_space<vmem>> -> memref<72xi32, #tpu.memory_space<vmem>>
      %dma_wait3A_229 = arith.constant 0 : i32
      %dma_wait3A_230 = arith.constant 0 : i32
      %dma_wait3A_231 = tpu.memref_slice %arg3[%dma_wait3A_229, %dma_wait3A_230] : memref<100000x128xf32, #tpu.memory_space<hbm>> -> memref<100000x128xf32, #tpu.memory_space<hbm>>
      tpu.wait_indirect_dma semaphore(%arg14 : memref<!tpu.dma_semaphore, #tpu.memory_space<semaphore_mem>>) src(%dma_wait3A_231 : memref<100000x128xf32, #tpu.memory_space<hbm>>) dst(%dma_wait3A_226 : memref<72x128xf32, #tpu.memory_space<vmem>>)
      %convert_element_type3A_232 = arith.extui %lt3A_212 : i1 to i32
      %cond3A_233 = arith.constant 0 : i32
      %cond3A_234 = arith.cmpi ne, %convert_element_type3A_232, %cond3A_233 : i32
      scf.if %cond3A_234 {
        %ge3A = arith.constant 2 : i32
        %ge3A_294 = arith.cmpi sge, %add3A_207, %ge3A : i32
        %convert_element_type3A_295 = arith.extui %ge3A_294 : i1 to i32
        %cond3A_296 = arith.constant 0 : i32
        %cond3A_297 = arith.cmpi ne, %convert_element_type3A_295, %cond3A_296 : i32
        scf.if %cond3A_297 {
          %add3A_324 = arith.constant 1 : i32
          %add3A_325 = arith.addi %add3A_208, %add3A_324 : i32
          %sub3A_326 = arith.constant 3 : i32
          %sub3A_327 = arith.subi %add3A_325, %sub3A_326 : i32
          %dma_wait3A_328 = arith.constant 0 : i32
          %dma_wait3A_329 = arith.constant 0 : i32
          %dma_wait3A_330 = tpu.memref_slice %arg5[%sub3A_327, %dma_wait3A_328, %dma_wait3A_329] : memref<4096x200x128xf32, #tpu.memory_space<hbm>> -> memref<1x200x128xf32, #tpu.memory_space<hbm>>
          %dma_wait3A_331 = tpu.memref_squeeze %dma_wait3A_330 : memref<1x200x128xf32, #tpu.memory_space<hbm>> -> memref<200x128xf32, #tpu.memory_space<hbm>>
          %dma_wait3A_332 = arith.constant 0 : i32
          %dma_wait3A_333 = arith.constant 0 : i32
          %dma_wait3A_334 = tpu.memref_slice %arg5[%sub3A_327, %dma_wait3A_332, %dma_wait3A_333] : memref<4096x200x128xf32, #tpu.memory_space<hbm>> -> memref<1x200x128xf32, #tpu.memory_space<hbm>>
          %dma_wait3A_335 = tpu.memref_squeeze %dma_wait3A_334 : memref<1x200x128xf32, #tpu.memory_space<hbm>> -> memref<200x128xf32, #tpu.memory_space<hbm>>
          tpu.wait_dma2 semaphore(%arg18 : memref<!tpu.dma_semaphore, #tpu.memory_space<semaphore_mem>>) src(%arg11 : memref<200x128xf32, #tpu.memory_space<vmem>>) dst(%dma_wait3A_335 : memref<200x128xf32, #tpu.memory_space<hbm>>)
        } else {
        }
        %add3A_298 = arith.constant 1 : i32
        %add3A_299 = arith.addi %add3A_208, %add3A_298 : i32
        %dma_wait3A_300 = arith.constant 0 : i32
        %dma_wait3A_301 = tpu.memref_slice %arg2[%add3A_299, %dma_wait3A_300] : memref<4096x200xi32, #tpu.memory_space<hbm>> -> memref<1x200xi32, #tpu.memory_space<hbm>>
        %dma_wait3A_302 = tpu.memref_squeeze %dma_wait3A_301 : memref<1x200xi32, #tpu.memory_space<hbm>> -> memref<200xi32, #tpu.memory_space<hbm>>
        %dma_wait3A_303 = arith.constant 0 : i32
        %dma_wait3A_304 = tpu.memref_slice %arg2[%add3A_299, %dma_wait3A_303] : memref<4096x200xi32, #tpu.memory_space<hbm>> -> memref<1x200xi32, #tpu.memory_space<hbm>>
        %dma_wait3A_305 = tpu.memref_squeeze %dma_wait3A_304 : memref<1x200xi32, #tpu.memory_space<hbm>> -> memref<200xi32, #tpu.memory_space<hbm>>
        tpu.wait_dma2 semaphore(%arg21 : memref<!tpu.dma_semaphore, #tpu.memory_space<semaphore_mem>>) src(%dma_wait3A_305 : memref<200xi32, #tpu.memory_space<hbm>>) dst(%arg8 : memref<200xi32, #tpu.memory_space<vmem>>)
        %add3A_306 = arith.constant 1 : i32
        %add3A_307 = arith.addi %add3A_208, %add3A_306 : i32
        %dma_start3A_308 = arith.constant 0 : i32
        %dma_start3A_309 = arith.constant 0 : i32
        %dma_start3A_310 = tpu.memref_slice %arg11[%dma_start3A_308, %dma_start3A_309] : memref<200x128xf32, #tpu.memory_space<vmem>> -> memref<128x128xf32, #tpu.memory_space<vmem>>
        %dma_start3A_311 = arith.constant 0 : i32
        %dma_start3A_312 = tpu.memref_slice %arg8[%dma_start3A_311] : memref<200xi32, #tpu.memory_space<vmem>> -> memref<128xi32, #tpu.memory_space<vmem>>
        %dma_start3A_313 = arith.constant 0 : i32
        %dma_start3A_314 = arith.constant 0 : i32
        %dma_start3A_315 = tpu.memref_slice %arg3[%dma_start3A_313, %dma_start3A_314] : memref<100000x128xf32, #tpu.memory_space<hbm>> -> memref<100000x128xf32, #tpu.memory_space<hbm>>
        tpu.enqueue_indirect_dma source(%dma_start3A_315 : memref<100000x128xf32, #tpu.memory_space<hbm>>) target(%dma_start3A_310 : memref<128x128xf32, #tpu.memory_space<vmem>>) offsets(%dma_start3A_312 : memref<128xi32, #tpu.memory_space<vmem>>) semaphore(%arg15 : memref<!tpu.dma_semaphore, #tpu.memory_space<semaphore_mem>>)
        %dma_start3A_316 = arith.constant 128 : i32
        %dma_start3A_317 = arith.constant 0 : i32
        %dma_start3A_318 = tpu.memref_slice %arg11[%dma_start3A_316, %dma_start3A_317] : memref<200x128xf32, #tpu.memory_space<vmem>> -> memref<72x128xf32, #tpu.memory_space<vmem>>
        %dma_start3A_319 = arith.constant 128 : i32
        %dma_start3A_320 = tpu.memref_slice %arg8[%dma_start3A_319] : memref<200xi32, #tpu.memory_space<vmem>> -> memref<72xi32, #tpu.memory_space<vmem>>
        %dma_start3A_321 = arith.constant 0 : i32
        %dma_start3A_322 = arith.constant 0 : i32
        %dma_start3A_323 = tpu.memref_slice %arg3[%dma_start3A_321, %dma_start3A_322] : memref<100000x128xf32, #tpu.memory_space<hbm>> -> memref<100000x128xf32, #tpu.memory_space<hbm>>
        tpu.enqueue_indirect_dma source(%dma_start3A_323 : memref<100000x128xf32, #tpu.memory_space<hbm>>) target(%dma_start3A_318 : memref<72x128xf32, #tpu.memory_space<vmem>>) offsets(%dma_start3A_320 : memref<72xi32, #tpu.memory_space<vmem>>) semaphore(%arg15 : memref<!tpu.dma_semaphore, #tpu.memory_space<semaphore_mem>>)
      } else {
      }
      %scan3A_235 = arith.constant 0 : i32
      %scan3A_236 = arith.constant 0 : i32
      %scan3A_237 = arith.constant 200 : i32
      %scan3A_238 = arith.addi %scan3A_236, %scan3A_237 : i32
      %scan3A_239 = arith.constant 1 : i32
      scf.for %scan3A_294 = %scan3A_236 to %scan3A_238 step %scan3A_239  : i32 {
        %get3A = arith.index_cast %scan3A_294 : i32 to index
        %get3A_295 = arith.constant 0 : index
        %get3A_296 = tpu.vector_load %arg12[%get3A, %get3A_295] {strides = array<i32>} : memref<200x128xf32, #tpu.memory_space<vmem>>, vector<1x16xf32>,
        %get3A_297 = vector.shape_cast %get3A_296 : vector<1x16xf32> to vector<16xf32>
        %swap3A = arith.index_cast %scan3A_294 : i32 to index
        %swap3A_298 = arith.constant 0 : index
        %swap3A_299 = tpu.vector_load %arg10[%swap3A, %swap3A_298] {strides = array<i32>} : memref<200x128xf32, #tpu.memory_space<vmem>>, vector<1x16xf32>,
        %swap3A_300 = vector.shape_cast %swap3A_299 : vector<1x16xf32> to vector<16xf32>
        %swap3A_301 = vector.shape_cast %get3A_297 : vector<16xf32> to vector<1x16xf32>
        tpu.vector_store %arg10[%swap3A, %swap3A_298], %swap3A_301 {add = true, strides = array<i32>} : memref<200x128xf32, #tpu.memory_space<vmem>>, vector<1x16xf32>,
        %get3A_302 = arith.index_cast %scan3A_294 : i32 to index
        %get3A_303 = arith.constant 16 : index
        %get3A_304 = tpu.vector_load %arg12[%get3A_302, %get3A_303] {strides = array<i32>} : memref<200x128xf32, #tpu.memory_space<vmem>>, vector<1x16xf32>,
        %get3A_305 = vector.shape_cast %get3A_304 : vector<1x16xf32> to vector<16xf32>
        %swap3A_306 = arith.index_cast %scan3A_294 : i32 to index
        %swap3A_307 = arith.constant 16 : index
        %swap3A_308 = tpu.vector_load %arg10[%swap3A_306, %swap3A_307] {strides = array<i32>} : memref<200x128xf32, #tpu.memory_space<vmem>>, vector<1x16xf32>,
        %swap3A_309 = vector.shape_cast %swap3A_308 : vector<1x16xf32> to vector<16xf32>
        %swap3A_310 = vector.shape_cast %get3A_305 : vector<16xf32> to vector<1x16xf32>
        tpu.vector_store %arg10[%swap3A_306, %swap3A_307], %swap3A_310 {add = true, strides = array<i32>} : memref<200x128xf32, #tpu.memory_space<vmem>>, vector<1x16xf32>,
        %get3A_311 = arith.index_cast %scan3A_294 : i32 to index
        %get3A_312 = arith.constant 32 : index
        %get3A_313 = tpu.vector_load %arg12[%get3A_311, %get3A_312] {strides = array<i32>} : memref<200x128xf32, #tpu.memory_space<vmem>>, vector<1x16xf32>,
        %get3A_314 = vector.shape_cast %get3A_313 : vector<1x16xf32> to vector<16xf32>
        %swap3A_315 = arith.index_cast %scan3A_294 : i32 to index
        %swap3A_316 = arith.constant 32 : index
        %swap3A_317 = tpu.vector_load %arg10[%swap3A_315, %swap3A_316] {strides = array<i32>} : memref<200x128xf32, #tpu.memory_space<vmem>>, vector<1x16xf32>,
        %swap3A_318 = vector.shape_cast %swap3A_317 : vector<1x16xf32> to vector<16xf32>
        %swap3A_319 = vector.shape_cast %get3A_314 : vector<16xf32> to vector<1x16xf32>
        tpu.vector_store %arg10[%swap3A_315, %swap3A_316], %swap3A_319 {add = true, strides = array<i32>} : memref<200x128xf32, #tpu.memory_space<vmem>>, vector<1x16xf32>,
        %get3A_320 = arith.index_cast %scan3A_294 : i32 to index
        %get3A_321 = arith.constant 48 : index
        %get3A_322 = tpu.vector_load %arg12[%get3A_320, %get3A_321] {strides = array<i32>} : memref<200x128xf32, #tpu.memory_space<vmem>>, vector<1x16xf32>,
        %get3A_323 = vector.shape_cast %get3A_322 : vector<1x16xf32> to vector<16xf32>
        %swap3A_324 = arith.index_cast %scan3A_294 : i32 to index
        %swap3A_325 = arith.constant 48 : index
        %swap3A_326 = tpu.vector_load %arg10[%swap3A_324, %swap3A_325] {strides = array<i32>} : memref<200x128xf32, #tpu.memory_space<vmem>>, vector<1x16xf32>,
        %swap3A_327 = vector.shape_cast %swap3A_326 : vector<1x16xf32> to vector<16xf32>
        %swap3A_328 = vector.shape_cast %get3A_323 : vector<16xf32> to vector<1x16xf32>
        tpu.vector_store %arg10[%swap3A_324, %swap3A_325], %swap3A_328 {add = true, strides = array<i32>} : memref<200x128xf32, #tpu.memory_space<vmem>>, vector<1x16xf32>,
        %get3A_329 = arith.index_cast %scan3A_294 : i32 to index
        %get3A_330 = arith.constant 64 : index
        %get3A_331 = tpu.vector_load %arg12[%get3A_329, %get3A_330] {strides = array<i32>} : memref<200x128xf32, #tpu.memory_space<vmem>>, vector<1x16xf32>,
        %get3A_332 = vector.shape_cast %get3A_331 : vector<1x16xf32> to vector<16xf32>
        %swap3A_333 = arith.index_cast %scan3A_294 : i32 to index
        %swap3A_334 = arith.constant 64 : index
        %swap3A_335 = tpu.vector_load %arg10[%swap3A_333, %swap3A_334] {strides = array<i32>} : memref<200x128xf32, #tpu.memory_space<vmem>>, vector<1x16xf32>,
        %swap3A_336 = vector.shape_cast %swap3A_335 : vector<1x16xf32> to vector<16xf32>
        %swap3A_337 = vector.shape_cast %get3A_332 : vector<16xf32> to vector<1x16xf32>
        tpu.vector_store %arg10[%swap3A_333, %swap3A_334], %swap3A_337 {add = true, strides = array<i32>} : memref<200x128xf32, #tpu.memory_space<vmem>>, vector<1x16xf32>,
        %get3A_338 = arith.index_cast %scan3A_294 : i32 to index
        %get3A_339 = arith.constant 80 : index
        %get3A_340 = tpu.vector_load %arg12[%get3A_338, %get3A_339] {strides = array<i32>} : memref<200x128xf32, #tpu.memory_space<vmem>>, vector<1x16xf32>,
        %get3A_341 = vector.shape_cast %get3A_340 : vector<1x16xf32> to vector<16xf32>
        %swap3A_342 = arith.index_cast %scan3A_294 : i32 to index
        %swap3A_343 = arith.constant 80 : index
        %swap3A_344 = tpu.vector_load %arg10[%swap3A_342, %swap3A_343] {strides = array<i32>} : memref<200x128xf32, #tpu.memory_space<vmem>>, vector<1x16xf32>,
        %swap3A_345 = vector.shape_cast %swap3A_344 : vector<1x16xf32> to vector<16xf32>
        %swap3A_346 = vector.shape_cast %get3A_341 : vector<16xf32> to vector<1x16xf32>
        tpu.vector_store %arg10[%swap3A_342, %swap3A_343], %swap3A_346 {add = true, strides = array<i32>} : memref<200x128xf32, #tpu.memory_space<vmem>>, vector<1x16xf32>,
        %get3A_347 = arith.index_cast %scan3A_294 : i32 to index
        %get3A_348 = arith.constant 96 : index
        %get3A_349 = tpu.vector_load %arg12[%get3A_347, %get3A_348] {strides = array<i32>} : memref<200x128xf32, #tpu.memory_space<vmem>>, vector<1x16xf32>,
        %get3A_350 = vector.shape_cast %get3A_349 : vector<1x16xf32> to vector<16xf32>
        %swap3A_351 = arith.index_cast %scan3A_294 : i32 to index
        %swap3A_352 = arith.constant 96 : index
        %swap3A_353 = tpu.vector_load %arg10[%swap3A_351, %swap3A_352] {strides = array<i32>} : memref<200x128xf32, #tpu.memory_space<vmem>>, vector<1x16xf32>,
        %swap3A_354 = vector.shape_cast %swap3A_353 : vector<1x16xf32> to vector<16xf32>
        %swap3A_355 = vector.shape_cast %get3A_350 : vector<16xf32> to vector<1x16xf32>
        tpu.vector_store %arg10[%swap3A_351, %swap3A_352], %swap3A_355 {add = true, strides = array<i32>} : memref<200x128xf32, #tpu.memory_space<vmem>>, vector<1x16xf32>,
        %get3A_356 = arith.index_cast %scan3A_294 : i32 to index
        %get3A_357 = arith.constant 112 : index
        %get3A_358 = tpu.vector_load %arg12[%get3A_356, %get3A_357] {strides = array<i32>} : memref<200x128xf32, #tpu.memory_space<vmem>>, vector<1x16xf32>,
        %get3A_359 = vector.shape_cast %get3A_358 : vector<1x16xf32> to vector<16xf32>
        %swap3A_360 = arith.index_cast %scan3A_294 : i32 to index
        %swap3A_361 = arith.constant 112 : index
        %swap3A_362 = tpu.vector_load %arg10[%swap3A_360, %swap3A_361] {strides = array<i32>} : memref<200x128xf32, #tpu.memory_space<vmem>>, vector<1x16xf32>,
        %swap3A_363 = vector.shape_cast %swap3A_362 : vector<1x16xf32> to vector<16xf32>
        %swap3A_364 = vector.shape_cast %get3A_359 : vector<16xf32> to vector<1x16xf32>
        tpu.vector_store %arg10[%swap3A_360, %swap3A_361], %swap3A_364 {add = true, strides = array<i32>} : memref<200x128xf32, #tpu.memory_space<vmem>>, vector<1x16xf32>,
      }
      %scan3A_240 = arith.constant 200 : i32
      %dma_start3A_241 = arith.constant 0 : i32
      %dma_start3A_242 = arith.constant 0 : i32
      %dma_start3A_243 = tpu.memref_slice %arg5[%add3A_208, %dma_start3A_241, %dma_start3A_242] : memref<4096x200x128xf32, #tpu.memory_space<hbm>> -> memref<1x200x128xf32, #tpu.memory_space<hbm>>
      %dma_start3A_244 = tpu.memref_squeeze %dma_start3A_243 : memref<1x200x128xf32, #tpu.memory_space<hbm>> -> memref<200x128xf32, #tpu.memory_space<hbm>>
      %dma_start3A_245 = arith.constant 0 : i32
      %dma_start3A_246 = arith.constant 0 : i32
      %dma_start3A_247 = tpu.memref_slice %arg5[%add3A_208, %dma_start3A_245, %dma_start3A_246] : memref<4096x200x128xf32, #tpu.memory_space<hbm>> -> memref<1x200x128xf32, #tpu.memory_space<hbm>>
      %dma_start3A_248 = tpu.memref_squeeze %dma_start3A_247 : memref<1x200x128xf32, #tpu.memory_space<hbm>> -> memref<200x128xf32, #tpu.memory_space<hbm>>
      tpu.enqueue_dma source(%arg10 : memref<200x128xf32, #tpu.memory_space<vmem>>) target(%dma_start3A_248 : memref<200x128xf32, #tpu.memory_space<hbm>>) target_semaphore(%arg17 : memref<!tpu.dma_semaphore, #tpu.memory_space<semaphore_mem>>)
      %mul3A_249 = arith.constant 3 : i32
      %mul3A_250 = arith.muli %mul3A_249, %scan3A_161 : i32
      %add3A_251 = arith.constant 2 : i32
      %add3A_252 = arith.addi %mul3A_250, %add3A_251 : i32
      %add3A_253 = arith.addi %mul3A_2, %add3A_252 : i32
      %add3A_254 = arith.constant 1 : i32
      %add3A_255 = arith.addi %add3A_252, %add3A_254 : i32
      %lt3A_256 = arith.constant 128 : i32
      %lt3A_257 = arith.cmpi slt, %add3A_255, %lt3A_256 : i32
      %convert_element_type3A_258 = arith.extui %lt3A_257 : i1 to i32
      %cond3A_259 = arith.constant 0 : i32
      %cond3A_260 = arith.cmpi ne, %convert_element_type3A_258, %cond3A_259 : i32
      scf.if %cond3A_260 {
        %add3A_294 = arith.constant 1 : i32
        %add3A_295 = arith.addi %add3A_253, %add3A_294 : i32
        %dma_start3A_296 = arith.constant 0 : i32
        %dma_start3A_297 = tpu.memref_slice %arg2[%add3A_295, %dma_start3A_296] : memref<4096x200xi32, #tpu.memory_space<hbm>> -> memref<1x200xi32, #tpu.memory_space<hbm>>
        %dma_start3A_298 = tpu.memref_squeeze %dma_start3A_297 : memref<1x200xi32, #tpu.memory_space<hbm>> -> memref<200xi32, #tpu.memory_space<hbm>>
        %dma_start3A_299 = arith.constant 0 : i32
        %dma_start3A_300 = tpu.memref_slice %arg2[%add3A_295, %dma_start3A_299] : memref<4096x200xi32, #tpu.memory_space<hbm>> -> memref<1x200xi32, #tpu.memory_space<hbm>>
        %dma_start3A_301 = tpu.memref_squeeze %dma_start3A_300 : memref<1x200xi32, #tpu.memory_space<hbm>> -> memref<200xi32, #tpu.memory_space<hbm>>
        tpu.enqueue_dma source(%dma_start3A_301 : memref<200xi32, #tpu.memory_space<hbm>>) target(%arg6 : memref<200xi32, #tpu.memory_space<vmem>>) target_semaphore(%arg19 : memref<!tpu.dma_semaphore, #tpu.memory_space<semaphore_mem>>)
      } else {
      }
      %dma_wait3A_261 = arith.constant 0 : i32
      %dma_wait3A_262 = arith.constant 0 : i32
      %dma_wait3A_263 = tpu.memref_slice %arg11[%dma_wait3A_261, %dma_wait3A_262] : memref<200x128xf32, #tpu.memory_space<vmem>> -> memref<128x128xf32, #tpu.memory_space<vmem>>
      %dma_wait3A_264 = arith.constant 0 : i32
      %dma_wait3A_265 = tpu.memref_slice %arg8[%dma_wait3A_264] : memref<200xi32, #tpu.memory_space<vmem>> -> memref<128xi32, #tpu.memory_space<vmem>>
      %dma_wait3A_266 = arith.constant 0 : i32
      %dma_wait3A_267 = arith.constant 0 : i32
      %dma_wait3A_268 = tpu.memref_slice %arg3[%dma_wait3A_266, %dma_wait3A_267] : memref<100000x128xf32, #tpu.memory_space<hbm>> -> memref<100000x128xf32, #tpu.memory_space<hbm>>
      tpu.wait_indirect_dma semaphore(%arg15 : memref<!tpu.dma_semaphore, #tpu.memory_space<semaphore_mem>>) src(%dma_wait3A_268 : memref<100000x128xf32, #tpu.memory_space<hbm>>) dst(%dma_wait3A_263 : memref<128x128xf32, #tpu.memory_space<vmem>>)
      %dma_wait3A_269 = arith.constant 128 : i32
      %dma_wait3A_270 = arith.constant 0 : i32
      %dma_wait3A_271 = tpu.memref_slice %arg11[%dma_wait3A_269, %dma_wait3A_270] : memref<200x128xf32, #tpu.memory_space<vmem>> -> memref<72x128xf32, #tpu.memory_space<vmem>>
      %dma_wait3A_272 = arith.constant 128 : i32
      %dma_wait3A_273 = tpu.memref_slice %arg8[%dma_wait3A_272] : memref<200xi32, #tpu.memory_space<vmem>> -> memref<72xi32, #tpu.memory_space<vmem>>
      %dma_wait3A_274 = arith.constant 0 : i32
      %dma_wait3A_275 = arith.constant 0 : i32
      %dma_wait3A_276 = tpu.memref_slice %arg3[%dma_wait3A_274, %dma_wait3A_275] : memref<100000x128xf32, #tpu.memory_space<hbm>> -> memref<100000x128xf32, #tpu.memory_space<hbm>>
      tpu.wait_indirect_dma semaphore(%arg15 : memref<!tpu.dma_semaphore, #tpu.memory_space<semaphore_mem>>) src(%dma_wait3A_276 : memref<100000x128xf32, #tpu.memory_space<hbm>>) dst(%dma_wait3A_271 : memref<72x128xf32, #tpu.memory_space<vmem>>)
      %convert_element_type3A_277 = arith.extui %lt3A_257 : i1 to i32
      %cond3A_278 = arith.constant 0 : i32
      %cond3A_279 = arith.cmpi ne, %convert_element_type3A_277, %cond3A_278 : i32
      scf.if %cond3A_279 {
        %ge3A = arith.constant 2 : i32
        %ge3A_294 = arith.cmpi sge, %add3A_252, %ge3A : i32
        %convert_element_type3A_295 = arith.extui %ge3A_294 : i1 to i32
        %cond3A_296 = arith.constant 0 : i32
        %cond3A_297 = arith.cmpi ne, %convert_element_type3A_295, %cond3A_296 : i32
        scf.if %cond3A_297 {
          %add3A_324 = arith.constant 1 : i32
          %add3A_325 = arith.addi %add3A_253, %add3A_324 : i32
          %sub3A_326 = arith.constant 3 : i32
          %sub3A_327 = arith.subi %add3A_325, %sub3A_326 : i32
          %dma_wait3A_328 = arith.constant 0 : i32
          %dma_wait3A_329 = arith.constant 0 : i32
          %dma_wait3A_330 = tpu.memref_slice %arg5[%sub3A_327, %dma_wait3A_328, %dma_wait3A_329] : memref<4096x200x128xf32, #tpu.memory_space<hbm>> -> memref<1x200x128xf32, #tpu.memory_space<hbm>>
          %dma_wait3A_331 = tpu.memref_squeeze %dma_wait3A_330 : memref<1x200x128xf32, #tpu.memory_space<hbm>> -> memref<200x128xf32, #tpu.memory_space<hbm>>
          %dma_wait3A_332 = arith.constant 0 : i32
          %dma_wait3A_333 = arith.constant 0 : i32
          %dma_wait3A_334 = tpu.memref_slice %arg5[%sub3A_327, %dma_wait3A_332, %dma_wait3A_333] : memref<4096x200x128xf32, #tpu.memory_space<hbm>> -> memref<1x200x128xf32, #tpu.memory_space<hbm>>
          %dma_wait3A_335 = tpu.memref_squeeze %dma_wait3A_334 : memref<1x200x128xf32, #tpu.memory_space<hbm>> -> memref<200x128xf32, #tpu.memory_space<hbm>>
          tpu.wait_dma2 semaphore(%arg16 : memref<!tpu.dma_semaphore, #tpu.memory_space<semaphore_mem>>) src(%arg9 : memref<200x128xf32, #tpu.memory_space<vmem>>) dst(%dma_wait3A_335 : memref<200x128xf32, #tpu.memory_space<hbm>>)
        } else {
        }
        %add3A_298 = arith.constant 1 : i32
        %add3A_299 = arith.addi %add3A_253, %add3A_298 : i32
        %dma_wait3A_300 = arith.constant 0 : i32
        %dma_wait3A_301 = tpu.memref_slice %arg2[%add3A_299, %dma_wait3A_300] : memref<4096x200xi32, #tpu.memory_space<hbm>> -> memref<1x200xi32, #tpu.memory_space<hbm>>
        %dma_wait3A_302 = tpu.memref_squeeze %dma_wait3A_301 : memref<1x200xi32, #tpu.memory_space<hbm>> -> memref<200xi32, #tpu.memory_space<hbm>>
        %dma_wait3A_303 = arith.constant 0 : i32
        %dma_wait3A_304 = tpu.memref_slice %arg2[%add3A_299, %dma_wait3A_303] : memref<4096x200xi32, #tpu.memory_space<hbm>> -> memref<1x200xi32, #tpu.memory_space<hbm>>
        %dma_wait3A_305 = tpu.memref_squeeze %dma_wait3A_304 : memref<1x200xi32, #tpu.memory_space<hbm>> -> memref<200xi32, #tpu.memory_space<hbm>>
        tpu.wait_dma2 semaphore(%arg19 : memref<!tpu.dma_semaphore, #tpu.memory_space<semaphore_mem>>) src(%dma_wait3A_305 : memref<200xi32, #tpu.memory_space<hbm>>) dst(%arg6 : memref<200xi32, #tpu.memory_space<vmem>>)
        %add3A_306 = arith.constant 1 : i32
        %add3A_307 = arith.addi %add3A_253, %add3A_306 : i32
        %dma_start3A_308 = arith.constant 0 : i32
        %dma_start3A_309 = arith.constant 0 : i32
        %dma_start3A_310 = tpu.memref_slice %arg9[%dma_start3A_308, %dma_start3A_309] : memref<200x128xf32, #tpu.memory_space<vmem>> -> memref<128x128xf32, #tpu.memory_space<vmem>>
        %dma_start3A_311 = arith.constant 0 : i32
        %dma_start3A_312 = tpu.memref_slice %arg6[%dma_start3A_311] : memref<200xi32, #tpu.memory_space<vmem>> -> memref<128xi32, #tpu.memory_space<vmem>>
        %dma_start3A_313 = arith.constant 0 : i32
        %dma_start3A_314 = arith.constant 0 : i32
        %dma_start3A_315 = tpu.memref_slice %arg3[%dma_start3A_313, %dma_start3A_314] : memref<100000x128xf32, #tpu.memory_space<hbm>> -> memref<100000x128xf32, #tpu.memory_space<hbm>>
        tpu.enqueue_indirect_dma source(%dma_start3A_315 : memref<100000x128xf32, #tpu.memory_space<hbm>>) target(%dma_start3A_310 : memref<128x128xf32, #tpu.memory_space<vmem>>) offsets(%dma_start3A_312 : memref<128xi32, #tpu.memory_space<vmem>>) semaphore(%arg13 : memref<!tpu.dma_semaphore, #tpu.memory_space<semaphore_mem>>)
        %dma_start3A_316 = arith.constant 128 : i32
        %dma_start3A_317 = arith.constant 0 : i32
        %dma_start3A_318 = tpu.memref_slice %arg9[%dma_start3A_316, %dma_start3A_317] : memref<200x128xf32, #tpu.memory_space<vmem>> -> memref<72x128xf32, #tpu.memory_space<vmem>>
        %dma_start3A_319 = arith.constant 128 : i32
        %dma_start3A_320 = tpu.memref_slice %arg6[%dma_start3A_319] : memref<200xi32, #tpu.memory_space<vmem>> -> memref<72xi32, #tpu.memory_space<vmem>>
        %dma_start3A_321 = arith.constant 0 : i32
        %dma_start3A_322 = arith.constant 0 : i32
        %dma_start3A_323 = tpu.memref_slice %arg3[%dma_start3A_321, %dma_start3A_322] : memref<100000x128xf32, #tpu.memory_space<hbm>> -> memref<100000x128xf32, #tpu.memory_space<hbm>>
        tpu.enqueue_indirect_dma source(%dma_start3A_323 : memref<100000x128xf32, #tpu.memory_space<hbm>>) target(%dma_start3A_318 : memref<72x128xf32, #tpu.memory_space<vmem>>) offsets(%dma_start3A_320 : memref<72xi32, #tpu.memory_space<vmem>>) semaphore(%arg13 : memref<!tpu.dma_semaphore, #tpu.memory_space<semaphore_mem>>)
      } else {
      }
      %scan3A_280 = arith.constant 0 : i32
      %scan3A_281 = arith.constant 0 : i32
      %scan3A_282 = arith.constant 200 : i32
      %scan3A_283 = arith.addi %scan3A_281, %scan3A_282 : i32
      %scan3A_284 = arith.constant 1 : i32
      scf.for %scan3A_294 = %scan3A_281 to %scan3A_283 step %scan3A_284  : i32 {
        %get3A = arith.index_cast %scan3A_294 : i32 to index
        %get3A_295 = arith.constant 0 : index
        %get3A_296 = tpu.vector_load %arg12[%get3A, %get3A_295] {strides = array<i32>} : memref<200x128xf32, #tpu.memory_space<vmem>>, vector<1x16xf32>,
        %get3A_297 = vector.shape_cast %get3A_296 : vector<1x16xf32> to vector<16xf32>
        %swap3A = arith.index_cast %scan3A_294 : i32 to index
        %swap3A_298 = arith.constant 0 : index
        %swap3A_299 = tpu.vector_load %arg11[%swap3A, %swap3A_298] {strides = array<i32>} : memref<200x128xf32, #tpu.memory_space<vmem>>, vector<1x16xf32>,
        %swap3A_300 = vector.shape_cast %swap3A_299 : vector<1x16xf32> to vector<16xf32>
        %swap3A_301 = vector.shape_cast %get3A_297 : vector<16xf32> to vector<1x16xf32>
        tpu.vector_store %arg11[%swap3A, %swap3A_298], %swap3A_301 {add = true, strides = array<i32>} : memref<200x128xf32, #tpu.memory_space<vmem>>, vector<1x16xf32>,
        %get3A_302 = arith.index_cast %scan3A_294 : i32 to index
        %get3A_303 = arith.constant 16 : index
        %get3A_304 = tpu.vector_load %arg12[%get3A_302, %get3A_303] {strides = array<i32>} : memref<200x128xf32, #tpu.memory_space<vmem>>, vector<1x16xf32>,
        %get3A_305 = vector.shape_cast %get3A_304 : vector<1x16xf32> to vector<16xf32>
        %swap3A_306 = arith.index_cast %scan3A_294 : i32 to index
        %swap3A_307 = arith.constant 16 : index
        %swap3A_308 = tpu.vector_load %arg11[%swap3A_306, %swap3A_307] {strides = array<i32>} : memref<200x128xf32, #tpu.memory_space<vmem>>, vector<1x16xf32>,
        %swap3A_309 = vector.shape_cast %swap3A_308 : vector<1x16xf32> to vector<16xf32>
        %swap3A_310 = vector.shape_cast %get3A_305 : vector<16xf32> to vector<1x16xf32>
        tpu.vector_store %arg11[%swap3A_306, %swap3A_307], %swap3A_310 {add = true, strides = array<i32>} : memref<200x128xf32, #tpu.memory_space<vmem>>, vector<1x16xf32>,
        %get3A_311 = arith.index_cast %scan3A_294 : i32 to index
        %get3A_312 = arith.constant 32 : index
        %get3A_313 = tpu.vector_load %arg12[%get3A_311, %get3A_312] {strides = array<i32>} : memref<200x128xf32, #tpu.memory_space<vmem>>, vector<1x16xf32>,
        %get3A_314 = vector.shape_cast %get3A_313 : vector<1x16xf32> to vector<16xf32>
        %swap3A_315 = arith.index_cast %scan3A_294 : i32 to index
        %swap3A_316 = arith.constant 32 : index
        %swap3A_317 = tpu.vector_load %arg11[%swap3A_315, %swap3A_316] {strides = array<i32>} : memref<200x128xf32, #tpu.memory_space<vmem>>, vector<1x16xf32>,
        %swap3A_318 = vector.shape_cast %swap3A_317 : vector<1x16xf32> to vector<16xf32>
        %swap3A_319 = vector.shape_cast %get3A_314 : vector<16xf32> to vector<1x16xf32>
        tpu.vector_store %arg11[%swap3A_315, %swap3A_316], %swap3A_319 {add = true, strides = array<i32>} : memref<200x128xf32, #tpu.memory_space<vmem>>, vector<1x16xf32>,
        %get3A_320 = arith.index_cast %scan3A_294 : i32 to index
        %get3A_321 = arith.constant 48 : index
        %get3A_322 = tpu.vector_load %arg12[%get3A_320, %get3A_321] {strides = array<i32>} : memref<200x128xf32, #tpu.memory_space<vmem>>, vector<1x16xf32>,
        %get3A_323 = vector.shape_cast %get3A_322 : vector<1x16xf32> to vector<16xf32>
        %swap3A_324 = arith.index_cast %scan3A_294 : i32 to index
        %swap3A_325 = arith.constant 48 : index
        %swap3A_326 = tpu.vector_load %arg11[%swap3A_324, %swap3A_325] {strides = array<i32>} : memref<200x128xf32, #tpu.memory_space<vmem>>, vector<1x16xf32>,
        %swap3A_327 = vector.shape_cast %swap3A_326 : vector<1x16xf32> to vector<16xf32>
        %swap3A_328 = vector.shape_cast %get3A_323 : vector<16xf32> to vector<1x16xf32>
        tpu.vector_store %arg11[%swap3A_324, %swap3A_325], %swap3A_328 {add = true, strides = array<i32>} : memref<200x128xf32, #tpu.memory_space<vmem>>, vector<1x16xf32>,
        %get3A_329 = arith.index_cast %scan3A_294 : i32 to index
        %get3A_330 = arith.constant 64 : index
        %get3A_331 = tpu.vector_load %arg12[%get3A_329, %get3A_330] {strides = array<i32>} : memref<200x128xf32, #tpu.memory_space<vmem>>, vector<1x16xf32>,
        %get3A_332 = vector.shape_cast %get3A_331 : vector<1x16xf32> to vector<16xf32>
        %swap3A_333 = arith.index_cast %scan3A_294 : i32 to index
        %swap3A_334 = arith.constant 64 : index
        %swap3A_335 = tpu.vector_load %arg11[%swap3A_333, %swap3A_334] {strides = array<i32>} : memref<200x128xf32, #tpu.memory_space<vmem>>, vector<1x16xf32>,
        %swap3A_336 = vector.shape_cast %swap3A_335 : vector<1x16xf32> to vector<16xf32>
        %swap3A_337 = vector.shape_cast %get3A_332 : vector<16xf32> to vector<1x16xf32>
        tpu.vector_store %arg11[%swap3A_333, %swap3A_334], %swap3A_337 {add = true, strides = array<i32>} : memref<200x128xf32, #tpu.memory_space<vmem>>, vector<1x16xf32>,
        %get3A_338 = arith.index_cast %scan3A_294 : i32 to index
        %get3A_339 = arith.constant 80 : index
        %get3A_340 = tpu.vector_load %arg12[%get3A_338, %get3A_339] {strides = array<i32>} : memref<200x128xf32, #tpu.memory_space<vmem>>, vector<1x16xf32>,
        %get3A_341 = vector.shape_cast %get3A_340 : vector<1x16xf32> to vector<16xf32>
        %swap3A_342 = arith.index_cast %scan3A_294 : i32 to index
        %swap3A_343 = arith.constant 80 : index
        %swap3A_344 = tpu.vector_load %arg11[%swap3A_342, %swap3A_343] {strides = array<i32>} : memref<200x128xf32, #tpu.memory_space<vmem>>, vector<1x16xf32>,
        %swap3A_345 = vector.shape_cast %swap3A_344 : vector<1x16xf32> to vector<16xf32>
        %swap3A_346 = vector.shape_cast %get3A_341 : vector<16xf32> to vector<1x16xf32>
        tpu.vector_store %arg11[%swap3A_342, %swap3A_343], %swap3A_346 {add = true, strides = array<i32>} : memref<200x128xf32, #tpu.memory_space<vmem>>, vector<1x16xf32>,
        %get3A_347 = arith.index_cast %scan3A_294 : i32 to index
        %get3A_348 = arith.constant 96 : index
        %get3A_349 = tpu.vector_load %arg12[%get3A_347, %get3A_348] {strides = array<i32>} : memref<200x128xf32, #tpu.memory_space<vmem>>, vector<1x16xf32>,
        %get3A_350 = vector.shape_cast %get3A_349 : vector<1x16xf32> to vector<16xf32>
        %swap3A_351 = arith.index_cast %scan3A_294 : i32 to index
        %swap3A_352 = arith.constant 96 : index
        %swap3A_353 = tpu.vector_load %arg11[%swap3A_351, %swap3A_352] {strides = array<i32>} : memref<200x128xf32, #tpu.memory_space<vmem>>, vector<1x16xf32>,
        %swap3A_354 = vector.shape_cast %swap3A_353 : vector<1x16xf32> to vector<16xf32>
        %swap3A_355 = vector.shape_cast %get3A_350 : vector<16xf32> to vector<1x16xf32>
        tpu.vector_store %arg11[%swap3A_351, %swap3A_352], %swap3A_355 {add = true, strides = array<i32>} : memref<200x128xf32, #tpu.memory_space<vmem>>, vector<1x16xf32>,
        %get3A_356 = arith.index_cast %scan3A_294 : i32 to index
        %get3A_357 = arith.constant 112 : index
        %get3A_358 = tpu.vector_load %arg12[%get3A_356, %get3A_357] {strides = array<i32>} : memref<200x128xf32, #tpu.memory_space<vmem>>, vector<1x16xf32>,
        %get3A_359 = vector.shape_cast %get3A_358 : vector<1x16xf32> to vector<16xf32>
        %swap3A_360 = arith.index_cast %scan3A_294 : i32 to index
        %swap3A_361 = arith.constant 112 : index
        %swap3A_362 = tpu.vector_load %arg11[%swap3A_360, %swap3A_361] {strides = array<i32>} : memref<200x128xf32, #tpu.memory_space<vmem>>, vector<1x16xf32>,
        %swap3A_363 = vector.shape_cast %swap3A_362 : vector<1x16xf32> to vector<16xf32>
        %swap3A_364 = vector.shape_cast %get3A_359 : vector<16xf32> to vector<1x16xf32>
        tpu.vector_store %arg11[%swap3A_360, %swap3A_361], %swap3A_364 {add = true, strides = array<i32>} : memref<200x128xf32, #tpu.memory_space<vmem>>, vector<1x16xf32>,
      }
      %scan3A_285 = arith.constant 200 : i32
      %dma_start3A_286 = arith.constant 0 : i32
      %dma_start3A_287 = arith.constant 0 : i32
      %dma_start3A_288 = tpu.memref_slice %arg5[%add3A_253, %dma_start3A_286, %dma_start3A_287] : memref<4096x200x128xf32, #tpu.memory_space<hbm>> -> memref<1x200x128xf32, #tpu.memory_space<hbm>>
      %dma_start3A_289 = tpu.memref_squeeze %dma_start3A_288 : memref<1x200x128xf32, #tpu.memory_space<hbm>> -> memref<200x128xf32, #tpu.memory_space<hbm>>
      %dma_start3A_290 = arith.constant 0 : i32
      %dma_start3A_291 = arith.constant 0 : i32
      %dma_start3A_292 = tpu.memref_slice %arg5[%add3A_253, %dma_start3A_290, %dma_start3A_291] : memref<4096x200x128xf32, #tpu.memory_space<hbm>> -> memref<1x200x128xf32, #tpu.memory_space<hbm>>
      %dma_start3A_293 = tpu.memref_squeeze %dma_start3A_292 : memref<1x200x128xf32, #tpu.memory_space<hbm>> -> memref<200x128xf32, #tpu.memory_space<hbm>>
      tpu.enqueue_dma source(%arg11 : memref<200x128xf32, #tpu.memory_space<vmem>>) target(%dma_start3A_293 : memref<200x128xf32, #tpu.memory_space<hbm>>) target_semaphore(%arg18 : memref<!tpu.dma_semaphore, #tpu.memory_space<semaphore_mem>>)
    }
    %scan3A_22 = arith.constant 42 : i32
    %add3A_23 = arith.constant 126 : i32
    %add3A_24 = arith.addi %mul3A_2, %add3A_23 : i32
    %add3A_25 = arith.constant 1 : i32
    %add3A_26 = arith.addi %add3A_24, %add3A_25 : i32
    %dma_start3A_27 = arith.constant 0 : i32
    %dma_start3A_28 = tpu.memref_slice %arg2[%add3A_26, %dma_start3A_27] : memref<4096x200xi32, #tpu.memory_space<hbm>> -> memref<1x200xi32, #tpu.memory_space<hbm>>
    %dma_start3A_29 = tpu.memref_squeeze %dma_start3A_28 : memref<1x200xi32, #tpu.memory_space<hbm>> -> memref<200xi32, #tpu.memory_space<hbm>>
    %dma_start3A_30 = arith.constant 0 : i32
    %dma_start3A_31 = tpu.memref_slice %arg2[%add3A_26, %dma_start3A_30] : memref<4096x200xi32, #tpu.memory_space<hbm>> -> memref<1x200xi32, #tpu.memory_space<hbm>>
    %dma_start3A_32 = tpu.memref_squeeze %dma_start3A_31 : memref<1x200xi32, #tpu.memory_space<hbm>> -> memref<200xi32, #tpu.memory_space<hbm>>
    tpu.enqueue_dma source(%dma_start3A_32 : memref<200xi32, #tpu.memory_space<hbm>>) target(%arg7 : memref<200xi32, #tpu.memory_space<vmem>>) target_semaphore(%arg20 : memref<!tpu.dma_semaphore, #tpu.memory_space<semaphore_mem>>)
    %dma_wait3A = arith.constant 0 : i32
    %dma_wait3A_33 = arith.constant 0 : i32
    %dma_wait3A_34 = tpu.memref_slice %arg9[%dma_wait3A, %dma_wait3A_33] : memref<200x128xf32, #tpu.memory_space<vmem>> -> memref<128x128xf32, #tpu.memory_space<vmem>>
    %dma_wait3A_35 = arith.constant 0 : i32
    %dma_wait3A_36 = tpu.memref_slice %arg6[%dma_wait3A_35] : memref<200xi32, #tpu.memory_space<vmem>> -> memref<128xi32, #tpu.memory_space<vmem>>
    %dma_wait3A_37 = arith.constant 0 : i32
    %dma_wait3A_38 = arith.constant 0 : i32
    %dma_wait3A_39 = tpu.memref_slice %arg3[%dma_wait3A_37, %dma_wait3A_38] : memref<100000x128xf32, #tpu.memory_space<hbm>> -> memref<100000x128xf32, #tpu.memory_space<hbm>>
    tpu.wait_indirect_dma semaphore(%arg13 : memref<!tpu.dma_semaphore, #tpu.memory_space<semaphore_mem>>) src(%dma_wait3A_39 : memref<100000x128xf32, #tpu.memory_space<hbm>>) dst(%dma_wait3A_34 : memref<128x128xf32, #tpu.memory_space<vmem>>)
    %dma_wait3A_40 = arith.constant 128 : i32
    %dma_wait3A_41 = arith.constant 0 : i32
    %dma_wait3A_42 = tpu.memref_slice %arg9[%dma_wait3A_40, %dma_wait3A_41] : memref<200x128xf32, #tpu.memory_space<vmem>> -> memref<72x128xf32, #tpu.memory_space<vmem>>
    %dma_wait3A_43 = arith.constant 128 : i32
    %dma_wait3A_44 = tpu.memref_slice %arg6[%dma_wait3A_43] : memref<200xi32, #tpu.memory_space<vmem>> -> memref<72xi32, #tpu.memory_space<vmem>>
    %dma_wait3A_45 = arith.constant 0 : i32
    %dma_wait3A_46 = arith.constant 0 : i32
    %dma_wait3A_47 = tpu.memref_slice %arg3[%dma_wait3A_45, %dma_wait3A_46] : memref<100000x128xf32, #tpu.memory_space<hbm>> -> memref<100000x128xf32, #tpu.memory_space<hbm>>
    tpu.wait_indirect_dma semaphore(%arg13 : memref<!tpu.dma_semaphore, #tpu.memory_space<semaphore_mem>>) src(%dma_wait3A_47 : memref<100000x128xf32, #tpu.memory_space<hbm>>) dst(%dma_wait3A_42 : memref<72x128xf32, #tpu.memory_space<vmem>>)
    %add3A_48 = arith.constant 1 : i32
    %add3A_49 = arith.addi %add3A_24, %add3A_48 : i32
    %sub3A = arith.constant 3 : i32
    %sub3A_50 = arith.subi %add3A_49, %sub3A : i32
    %dma_wait3A_51 = arith.constant 0 : i32
    %dma_wait3A_52 = arith.constant 0 : i32
    %dma_wait3A_53 = tpu.memref_slice %arg5[%sub3A_50, %dma_wait3A_51, %dma_wait3A_52] : memref<4096x200x128xf32, #tpu.memory_space<hbm>> -> memref<1x200x128xf32, #tpu.memory_space<hbm>>
    %dma_wait3A_54 = tpu.memref_squeeze %dma_wait3A_53 : memref<1x200x128xf32, #tpu.memory_space<hbm>> -> memref<200x128xf32, #tpu.memory_space<hbm>>
    %dma_wait3A_55 = arith.constant 0 : i32
    %dma_wait3A_56 = arith.constant 0 : i32
    %dma_wait3A_57 = tpu.memref_slice %arg5[%sub3A_50, %dma_wait3A_55, %dma_wait3A_56] : memref<4096x200x128xf32, #tpu.memory_space<hbm>> -> memref<1x200x128xf32, #tpu.memory_space<hbm>>
    %dma_wait3A_58 = tpu.memref_squeeze %dma_wait3A_57 : memref<1x200x128xf32, #tpu.memory_space<hbm>> -> memref<200x128xf32, #tpu.memory_space<hbm>>
    tpu.wait_dma2 semaphore(%arg17 : memref<!tpu.dma_semaphore, #tpu.memory_space<semaphore_mem>>) src(%arg10 : memref<200x128xf32, #tpu.memory_space<vmem>>) dst(%dma_wait3A_58 : memref<200x128xf32, #tpu.memory_space<hbm>>)
    %add3A_59 = arith.constant 1 : i32
    %add3A_60 = arith.addi %add3A_24, %add3A_59 : i32
    %dma_wait3A_61 = arith.constant 0 : i32
    %dma_wait3A_62 = tpu.memref_slice %arg2[%add3A_60, %dma_wait3A_61] : memref<4096x200xi32, #tpu.memory_space<hbm>> -> memref<1x200xi32, #tpu.memory_space<hbm>>
    %dma_wait3A_63 = tpu.memref_squeeze %dma_wait3A_62 : memref<1x200xi32, #tpu.memory_space<hbm>> -> memref<200xi32, #tpu.memory_space<hbm>>
    %dma_wait3A_64 = arith.constant 0 : i32
    %dma_wait3A_65 = tpu.memref_slice %arg2[%add3A_60, %dma_wait3A_64] : memref<4096x200xi32, #tpu.memory_space<hbm>> -> memref<1x200xi32, #tpu.memory_space<hbm>>
    %dma_wait3A_66 = tpu.memref_squeeze %dma_wait3A_65 : memref<1x200xi32, #tpu.memory_space<hbm>> -> memref<200xi32, #tpu.memory_space<hbm>>
    tpu.wait_dma2 semaphore(%arg20 : memref<!tpu.dma_semaphore, #tpu.memory_space<semaphore_mem>>) src(%dma_wait3A_66 : memref<200xi32, #tpu.memory_space<hbm>>) dst(%arg7 : memref<200xi32, #tpu.memory_space<vmem>>)
    %add3A_67 = arith.constant 1 : i32
    %add3A_68 = arith.addi %add3A_24, %add3A_67 : i32
    %dma_start3A_69 = arith.constant 0 : i32
    %dma_start3A_70 = arith.constant 0 : i32
    %dma_start3A_71 = tpu.memref_slice %arg10[%dma_start3A_69, %dma_start3A_70] : memref<200x128xf32, #tpu.memory_space<vmem>> -> memref<128x128xf32, #tpu.memory_space<vmem>>
    %dma_start3A_72 = arith.constant 0 : i32
    %dma_start3A_73 = tpu.memref_slice %arg7[%dma_start3A_72] : memref<200xi32, #tpu.memory_space<vmem>> -> memref<128xi32, #tpu.memory_space<vmem>>
    %dma_start3A_74 = arith.constant 0 : i32
    %dma_start3A_75 = arith.constant 0 : i32
    %dma_start3A_76 = tpu.memref_slice %arg3[%dma_start3A_74, %dma_start3A_75] : memref<100000x128xf32, #tpu.memory_space<hbm>> -> memref<100000x128xf32, #tpu.memory_space<hbm>>
    tpu.enqueue_indirect_dma source(%dma_start3A_76 : memref<100000x128xf32, #tpu.memory_space<hbm>>) target(%dma_start3A_71 : memref<128x128xf32, #tpu.memory_space<vmem>>) offsets(%dma_start3A_73 : memref<128xi32, #tpu.memory_space<vmem>>) semaphore(%arg14 : memref<!tpu.dma_semaphore, #tpu.memory_space<semaphore_mem>>)
    %dma_start3A_77 = arith.constant 128 : i32
    %dma_start3A_78 = arith.constant 0 : i32
    %dma_start3A_79 = tpu.memref_slice %arg10[%dma_start3A_77, %dma_start3A_78] : memref<200x128xf32, #tpu.memory_space<vmem>> -> memref<72x128xf32, #tpu.memory_space<vmem>>
    %dma_start3A_80 = arith.constant 128 : i32
    %dma_start3A_81 = tpu.memref_slice %arg7[%dma_start3A_80] : memref<200xi32, #tpu.memory_space<vmem>> -> memref<72xi32, #tpu.memory_space<vmem>>
    %dma_start3A_82 = arith.constant 0 : i32
    %dma_start3A_83 = arith.constant 0 : i32
    %dma_start3A_84 = tpu.memref_slice %arg3[%dma_start3A_82, %dma_start3A_83] : memref<100000x128xf32, #tpu.memory_space<hbm>> -> memref<100000x128xf32, #tpu.memory_space<hbm>>
    tpu.enqueue_indirect_dma source(%dma_start3A_84 : memref<100000x128xf32, #tpu.memory_space<hbm>>) target(%dma_start3A_79 : memref<72x128xf32, #tpu.memory_space<vmem>>) offsets(%dma_start3A_81 : memref<72xi32, #tpu.memory_space<vmem>>) semaphore(%arg14 : memref<!tpu.dma_semaphore, #tpu.memory_space<semaphore_mem>>)
    %scan3A_85 = arith.constant 0 : i32
    %scan3A_86 = arith.constant 0 : i32
    %scan3A_87 = arith.constant 200 : i32
    %scan3A_88 = arith.addi %scan3A_86, %scan3A_87 : i32
    %scan3A_89 = arith.constant 1 : i32
    scf.for %scan3A_161 = %scan3A_86 to %scan3A_88 step %scan3A_89  : i32 {
      %get3A = arith.index_cast %scan3A_161 : i32 to index
      %get3A_162 = arith.constant 0 : index
      %get3A_163 = tpu.vector_load %arg12[%get3A, %get3A_162] {strides = array<i32>} : memref<200x128xf32, #tpu.memory_space<vmem>>, vector<1x16xf32>,
      %get3A_164 = vector.shape_cast %get3A_163 : vector<1x16xf32> to vector<16xf32>
      %swap3A = arith.index_cast %scan3A_161 : i32 to index
      %swap3A_165 = arith.constant 0 : index
      %swap3A_166 = tpu.vector_load %arg9[%swap3A, %swap3A_165] {strides = array<i32>} : memref<200x128xf32, #tpu.memory_space<vmem>>, vector<1x16xf32>,
      %swap3A_167 = vector.shape_cast %swap3A_166 : vector<1x16xf32> to vector<16xf32>
      %swap3A_168 = vector.shape_cast %get3A_164 : vector<16xf32> to vector<1x16xf32>
      tpu.vector_store %arg9[%swap3A, %swap3A_165], %swap3A_168 {add = true, strides = array<i32>} : memref<200x128xf32, #tpu.memory_space<vmem>>, vector<1x16xf32>,
      %get3A_169 = arith.index_cast %scan3A_161 : i32 to index
      %get3A_170 = arith.constant 16 : index
      %get3A_171 = tpu.vector_load %arg12[%get3A_169, %get3A_170] {strides = array<i32>} : memref<200x128xf32, #tpu.memory_space<vmem>>, vector<1x16xf32>,
      %get3A_172 = vector.shape_cast %get3A_171 : vector<1x16xf32> to vector<16xf32>
      %swap3A_173 = arith.index_cast %scan3A_161 : i32 to index
      %swap3A_174 = arith.constant 16 : index
      %swap3A_175 = tpu.vector_load %arg9[%swap3A_173, %swap3A_174] {strides = array<i32>} : memref<200x128xf32, #tpu.memory_space<vmem>>, vector<1x16xf32>,
      %swap3A_176 = vector.shape_cast %swap3A_175 : vector<1x16xf32> to vector<16xf32>
      %swap3A_177 = vector.shape_cast %get3A_172 : vector<16xf32> to vector<1x16xf32>
      tpu.vector_store %arg9[%swap3A_173, %swap3A_174], %swap3A_177 {add = true, strides = array<i32>} : memref<200x128xf32, #tpu.memory_space<vmem>>, vector<1x16xf32>,
      %get3A_178 = arith.index_cast %scan3A_161 : i32 to index
      %get3A_179 = arith.constant 32 : index
      %get3A_180 = tpu.vector_load %arg12[%get3A_178, %get3A_179] {strides = array<i32>} : memref<200x128xf32, #tpu.memory_space<vmem>>, vector<1x16xf32>,
      %get3A_181 = vector.shape_cast %get3A_180 : vector<1x16xf32> to vector<16xf32>
      %swap3A_182 = arith.index_cast %scan3A_161 : i32 to index
      %swap3A_183 = arith.constant 32 : index
      %swap3A_184 = tpu.vector_load %arg9[%swap3A_182, %swap3A_183] {strides = array<i32>} : memref<200x128xf32, #tpu.memory_space<vmem>>, vector<1x16xf32>,
      %swap3A_185 = vector.shape_cast %swap3A_184 : vector<1x16xf32> to vector<16xf32>
      %swap3A_186 = vector.shape_cast %get3A_181 : vector<16xf32> to vector<1x16xf32>
      tpu.vector_store %arg9[%swap3A_182, %swap3A_183], %swap3A_186 {add = true, strides = array<i32>} : memref<200x128xf32, #tpu.memory_space<vmem>>, vector<1x16xf32>,
      %get3A_187 = arith.index_cast %scan3A_161 : i32 to index
      %get3A_188 = arith.constant 48 : index
      %get3A_189 = tpu.vector_load %arg12[%get3A_187, %get3A_188] {strides = array<i32>} : memref<200x128xf32, #tpu.memory_space<vmem>>, vector<1x16xf32>,
      %get3A_190 = vector.shape_cast %get3A_189 : vector<1x16xf32> to vector<16xf32>
      %swap3A_191 = arith.index_cast %scan3A_161 : i32 to index
      %swap3A_192 = arith.constant 48 : index
      %swap3A_193 = tpu.vector_load %arg9[%swap3A_191, %swap3A_192] {strides = array<i32>} : memref<200x128xf32, #tpu.memory_space<vmem>>, vector<1x16xf32>,
      %swap3A_194 = vector.shape_cast %swap3A_193 : vector<1x16xf32> to vector<16xf32>
      %swap3A_195 = vector.shape_cast %get3A_190 : vector<16xf32> to vector<1x16xf32>
      tpu.vector_store %arg9[%swap3A_191, %swap3A_192], %swap3A_195 {add = true, strides = array<i32>} : memref<200x128xf32, #tpu.memory_space<vmem>>, vector<1x16xf32>,
      %get3A_196 = arith.index_cast %scan3A_161 : i32 to index
      %get3A_197 = arith.constant 64 : index
      %get3A_198 = tpu.vector_load %arg12[%get3A_196, %get3A_197] {strides = array<i32>} : memref<200x128xf32, #tpu.memory_space<vmem>>, vector<1x16xf32>,
      %get3A_199 = vector.shape_cast %get3A_198 : vector<1x16xf32> to vector<16xf32>
      %swap3A_200 = arith.index_cast %scan3A_161 : i32 to index
      %swap3A_201 = arith.constant 64 : index
      %swap3A_202 = tpu.vector_load %arg9[%swap3A_200, %swap3A_201] {strides = array<i32>} : memref<200x128xf32, #tpu.memory_space<vmem>>, vector<1x16xf32>,
      %swap3A_203 = vector.shape_cast %swap3A_202 : vector<1x16xf32> to vector<16xf32>
      %swap3A_204 = vector.shape_cast %get3A_199 : vector<16xf32> to vector<1x16xf32>
      tpu.vector_store %arg9[%swap3A_200, %swap3A_201], %swap3A_204 {add = true, strides = array<i32>} : memref<200x128xf32, #tpu.memory_space<vmem>>, vector<1x16xf32>,
      %get3A_205 = arith.index_cast %scan3A_161 : i32 to index
      %get3A_206 = arith.constant 80 : index
      %get3A_207 = tpu.vector_load %arg12[%get3A_205, %get3A_206] {strides = array<i32>} : memref<200x128xf32, #tpu.memory_space<vmem>>, vector<1x16xf32>,
      %get3A_208 = vector.shape_cast %get3A_207 : vector<1x16xf32> to vector<16xf32>
      %swap3A_209 = arith.index_cast %scan3A_161 : i32 to index
      %swap3A_210 = arith.constant 80 : index
      %swap3A_211 = tpu.vector_load %arg9[%swap3A_209, %swap3A_210] {strides = array<i32>} : memref<200x128xf32, #tpu.memory_space<vmem>>, vector<1x16xf32>,
      %swap3A_212 = vector.shape_cast %swap3A_211 : vector<1x16xf32> to vector<16xf32>
      %swap3A_213 = vector.shape_cast %get3A_208 : vector<16xf32> to vector<1x16xf32>
      tpu.vector_store %arg9[%swap3A_209, %swap3A_210], %swap3A_213 {add = true, strides = array<i32>} : memref<200x128xf32, #tpu.memory_space<vmem>>, vector<1x16xf32>,
      %get3A_214 = arith.index_cast %scan3A_161 : i32 to index
      %get3A_215 = arith.constant 96 : index
      %get3A_216 = tpu.vector_load %arg12[%get3A_214, %get3A_215] {strides = array<i32>} : memref<200x128xf32, #tpu.memory_space<vmem>>, vector<1x16xf32>,
      %get3A_217 = vector.shape_cast %get3A_216 : vector<1x16xf32> to vector<16xf32>
      %swap3A_218 = arith.index_cast %scan3A_161 : i32 to index
      %swap3A_219 = arith.constant 96 : index
      %swap3A_220 = tpu.vector_load %arg9[%swap3A_218, %swap3A_219] {strides = array<i32>} : memref<200x128xf32, #tpu.memory_space<vmem>>, vector<1x16xf32>,
      %swap3A_221 = vector.shape_cast %swap3A_220 : vector<1x16xf32> to vector<16xf32>
      %swap3A_222 = vector.shape_cast %get3A_217 : vector<16xf32> to vector<1x16xf32>
      tpu.vector_store %arg9[%swap3A_218, %swap3A_219], %swap3A_222 {add = true, strides = array<i32>} : memref<200x128xf32, #tpu.memory_space<vmem>>, vector<1x16xf32>,
      %get3A_223 = arith.index_cast %scan3A_161 : i32 to index
      %get3A_224 = arith.constant 112 : index
      %get3A_225 = tpu.vector_load %arg12[%get3A_223, %get3A_224] {strides = array<i32>} : memref<200x128xf32, #tpu.memory_space<vmem>>, vector<1x16xf32>,
      %get3A_226 = vector.shape_cast %get3A_225 : vector<1x16xf32> to vector<16xf32>
      %swap3A_227 = arith.index_cast %scan3A_161 : i32 to index
      %swap3A_228 = arith.constant 112 : index
      %swap3A_229 = tpu.vector_load %arg9[%swap3A_227, %swap3A_228] {strides = array<i32>} : memref<200x128xf32, #tpu.memory_space<vmem>>, vector<1x16xf32>,
      %swap3A_230 = vector.shape_cast %swap3A_229 : vector<1x16xf32> to vector<16xf32>
      %swap3A_231 = vector.shape_cast %get3A_226 : vector<16xf32> to vector<1x16xf32>
      tpu.vector_store %arg9[%swap3A_227, %swap3A_228], %swap3A_231 {add = true, strides = array<i32>} : memref<200x128xf32, #tpu.memory_space<vmem>>, vector<1x16xf32>,
    }
    %scan3A_90 = arith.constant 200 : i32
    %dma_start3A_91 = arith.constant 0 : i32
    %dma_start3A_92 = arith.constant 0 : i32
    %dma_start3A_93 = tpu.memref_slice %arg5[%add3A_24, %dma_start3A_91, %dma_start3A_92] : memref<4096x200x128xf32, #tpu.memory_space<hbm>> -> memref<1x200x128xf32, #tpu.memory_space<hbm>>
    %dma_start3A_94 = tpu.memref_squeeze %dma_start3A_93 : memref<1x200x128xf32, #tpu.memory_space<hbm>> -> memref<200x128xf32, #tpu.memory_space<hbm>>
    %dma_start3A_95 = arith.constant 0 : i32
    %dma_start3A_96 = arith.constant 0 : i32
    %dma_start3A_97 = tpu.memref_slice %arg5[%add3A_24, %dma_start3A_95, %dma_start3A_96] : memref<4096x200x128xf32, #tpu.memory_space<hbm>> -> memref<1x200x128xf32, #tpu.memory_space<hbm>>
    %dma_start3A_98 = tpu.memref_squeeze %dma_start3A_97 : memref<1x200x128xf32, #tpu.memory_space<hbm>> -> memref<200x128xf32, #tpu.memory_space<hbm>>
    tpu.enqueue_dma source(%arg9 : memref<200x128xf32, #tpu.memory_space<vmem>>) target(%dma_start3A_98 : memref<200x128xf32, #tpu.memory_space<hbm>>) target_semaphore(%arg16 : memref<!tpu.dma_semaphore, #tpu.memory_space<semaphore_mem>>)
    %add3A_99 = arith.constant 127 : i32
    %add3A_100 = arith.addi %mul3A_2, %add3A_99 : i32
    %dma_wait3A_101 = arith.constant 0 : i32
    %dma_wait3A_102 = arith.constant 0 : i32
    %dma_wait3A_103 = tpu.memref_slice %arg10[%dma_wait3A_101, %dma_wait3A_102] : memref<200x128xf32, #tpu.memory_space<vmem>> -> memref<128x128xf32, #tpu.memory_space<vmem>>
    %dma_wait3A_104 = arith.constant 0 : i32
    %dma_wait3A_105 = tpu.memref_slice %arg7[%dma_wait3A_104] : memref<200xi32, #tpu.memory_space<vmem>> -> memref<128xi32, #tpu.memory_space<vmem>>
    %dma_wait3A_106 = arith.constant 0 : i32
    %dma_wait3A_107 = arith.constant 0 : i32
    %dma_wait3A_108 = tpu.memref_slice %arg3[%dma_wait3A_106, %dma_wait3A_107] : memref<100000x128xf32, #tpu.memory_space<hbm>> -> memref<100000x128xf32, #tpu.memory_space<hbm>>
    tpu.wait_indirect_dma semaphore(%arg14 : memref<!tpu.dma_semaphore, #tpu.memory_space<semaphore_mem>>) src(%dma_wait3A_108 : memref<100000x128xf32, #tpu.memory_space<hbm>>) dst(%dma_wait3A_103 : memref<128x128xf32, #tpu.memory_space<vmem>>)
    %dma_wait3A_109 = arith.constant 128 : i32
    %dma_wait3A_110 = arith.constant 0 : i32
    %dma_wait3A_111 = tpu.memref_slice %arg10[%dma_wait3A_109, %dma_wait3A_110] : memref<200x128xf32, #tpu.memory_space<vmem>> -> memref<72x128xf32, #tpu.memory_space<vmem>>
    %dma_wait3A_112 = arith.constant 128 : i32
    %dma_wait3A_113 = tpu.memref_slice %arg7[%dma_wait3A_112] : memref<200xi32, #tpu.memory_space<vmem>> -> memref<72xi32, #tpu.memory_space<vmem>>
    %dma_wait3A_114 = arith.constant 0 : i32
    %dma_wait3A_115 = arith.constant 0 : i32
    %dma_wait3A_116 = tpu.memref_slice %arg3[%dma_wait3A_114, %dma_wait3A_115] : memref<100000x128xf32, #tpu.memory_space<hbm>> -> memref<100000x128xf32, #tpu.memory_space<hbm>>
    tpu.wait_indirect_dma semaphore(%arg14 : memref<!tpu.dma_semaphore, #tpu.memory_space<semaphore_mem>>) src(%dma_wait3A_116 : memref<100000x128xf32, #tpu.memory_space<hbm>>) dst(%dma_wait3A_111 : memref<72x128xf32, #tpu.memory_space<vmem>>)
    %scan3A_117 = arith.constant 0 : i32
    %scan3A_118 = arith.constant 0 : i32
    %scan3A_119 = arith.constant 200 : i32
    %scan3A_120 = arith.addi %scan3A_118, %scan3A_119 : i32
    %scan3A_121 = arith.constant 1 : i32
    scf.for %scan3A_161 = %scan3A_118 to %scan3A_120 step %scan3A_121  : i32 {
      %get3A = arith.index_cast %scan3A_161 : i32 to index
      %get3A_162 = arith.constant 0 : index
      %get3A_163 = tpu.vector_load %arg12[%get3A, %get3A_162] {strides = array<i32>} : memref<200x128xf32, #tpu.memory_space<vmem>>, vector<1x16xf32>,
      %get3A_164 = vector.shape_cast %get3A_163 : vector<1x16xf32> to vector<16xf32>
      %swap3A = arith.index_cast %scan3A_161 : i32 to index
      %swap3A_165 = arith.constant 0 : index
      %swap3A_166 = tpu.vector_load %arg10[%swap3A, %swap3A_165] {strides = array<i32>} : memref<200x128xf32, #tpu.memory_space<vmem>>, vector<1x16xf32>,
      %swap3A_167 = vector.shape_cast %swap3A_166 : vector<1x16xf32> to vector<16xf32>
      %swap3A_168 = vector.shape_cast %get3A_164 : vector<16xf32> to vector<1x16xf32>
      tpu.vector_store %arg10[%swap3A, %swap3A_165], %swap3A_168 {add = true, strides = array<i32>} : memref<200x128xf32, #tpu.memory_space<vmem>>, vector<1x16xf32>,
      %get3A_169 = arith.index_cast %scan3A_161 : i32 to index
      %get3A_170 = arith.constant 16 : index
      %get3A_171 = tpu.vector_load %arg12[%get3A_169, %get3A_170] {strides = array<i32>} : memref<200x128xf32, #tpu.memory_space<vmem>>, vector<1x16xf32>,
      %get3A_172 = vector.shape_cast %get3A_171 : vector<1x16xf32> to vector<16xf32>
      %swap3A_173 = arith.index_cast %scan3A_161 : i32 to index
      %swap3A_174 = arith.constant 16 : index
      %swap3A_175 = tpu.vector_load %arg10[%swap3A_173, %swap3A_174] {strides = array<i32>} : memref<200x128xf32, #tpu.memory_space<vmem>>, vector<1x16xf32>,
      %swap3A_176 = vector.shape_cast %swap3A_175 : vector<1x16xf32> to vector<16xf32>
      %swap3A_177 = vector.shape_cast %get3A_172 : vector<16xf32> to vector<1x16xf32>
      tpu.vector_store %arg10[%swap3A_173, %swap3A_174], %swap3A_177 {add = true, strides = array<i32>} : memref<200x128xf32, #tpu.memory_space<vmem>>, vector<1x16xf32>,
      %get3A_178 = arith.index_cast %scan3A_161 : i32 to index
      %get3A_179 = arith.constant 32 : index
      %get3A_180 = tpu.vector_load %arg12[%get3A_178, %get3A_179] {strides = array<i32>} : memref<200x128xf32, #tpu.memory_space<vmem>>, vector<1x16xf32>,
      %get3A_181 = vector.shape_cast %get3A_180 : vector<1x16xf32> to vector<16xf32>
      %swap3A_182 = arith.index_cast %scan3A_161 : i32 to index
      %swap3A_183 = arith.constant 32 : index
      %swap3A_184 = tpu.vector_load %arg10[%swap3A_182, %swap3A_183] {strides = array<i32>} : memref<200x128xf32, #tpu.memory_space<vmem>>, vector<1x16xf32>,
      %swap3A_185 = vector.shape_cast %swap3A_184 : vector<1x16xf32> to vector<16xf32>
      %swap3A_186 = vector.shape_cast %get3A_181 : vector<16xf32> to vector<1x16xf32>
      tpu.vector_store %arg10[%swap3A_182, %swap3A_183], %swap3A_186 {add = true, strides = array<i32>} : memref<200x128xf32, #tpu.memory_space<vmem>>, vector<1x16xf32>,
      %get3A_187 = arith.index_cast %scan3A_161 : i32 to index
      %get3A_188 = arith.constant 48 : index
      %get3A_189 = tpu.vector_load %arg12[%get3A_187, %get3A_188] {strides = array<i32>} : memref<200x128xf32, #tpu.memory_space<vmem>>, vector<1x16xf32>,
      %get3A_190 = vector.shape_cast %get3A_189 : vector<1x16xf32> to vector<16xf32>
      %swap3A_191 = arith.index_cast %scan3A_161 : i32 to index
      %swap3A_192 = arith.constant 48 : index
      %swap3A_193 = tpu.vector_load %arg10[%swap3A_191, %swap3A_192] {strides = array<i32>} : memref<200x128xf32, #tpu.memory_space<vmem>>, vector<1x16xf32>,
      %swap3A_194 = vector.shape_cast %swap3A_193 : vector<1x16xf32> to vector<16xf32>
      %swap3A_195 = vector.shape_cast %get3A_190 : vector<16xf32> to vector<1x16xf32>
      tpu.vector_store %arg10[%swap3A_191, %swap3A_192], %swap3A_195 {add = true, strides = array<i32>} : memref<200x128xf32, #tpu.memory_space<vmem>>, vector<1x16xf32>,
      %get3A_196 = arith.index_cast %scan3A_161 : i32 to index
      %get3A_197 = arith.constant 64 : index
      %get3A_198 = tpu.vector_load %arg12[%get3A_196, %get3A_197] {strides = array<i32>} : memref<200x128xf32, #tpu.memory_space<vmem>>, vector<1x16xf32>,
      %get3A_199 = vector.shape_cast %get3A_198 : vector<1x16xf32> to vector<16xf32>
      %swap3A_200 = arith.index_cast %scan3A_161 : i32 to index
      %swap3A_201 = arith.constant 64 : index
      %swap3A_202 = tpu.vector_load %arg10[%swap3A_200, %swap3A_201] {strides = array<i32>} : memref<200x128xf32, #tpu.memory_space<vmem>>, vector<1x16xf32>,
      %swap3A_203 = vector.shape_cast %swap3A_202 : vector<1x16xf32> to vector<16xf32>
      %swap3A_204 = vector.shape_cast %get3A_199 : vector<16xf32> to vector<1x16xf32>
      tpu.vector_store %arg10[%swap3A_200, %swap3A_201], %swap3A_204 {add = true, strides = array<i32>} : memref<200x128xf32, #tpu.memory_space<vmem>>, vector<1x16xf32>,
      %get3A_205 = arith.index_cast %scan3A_161 : i32 to index
      %get3A_206 = arith.constant 80 : index
      %get3A_207 = tpu.vector_load %arg12[%get3A_205, %get3A_206] {strides = array<i32>} : memref<200x128xf32, #tpu.memory_space<vmem>>, vector<1x16xf32>,
      %get3A_208 = vector.shape_cast %get3A_207 : vector<1x16xf32> to vector<16xf32>
      %swap3A_209 = arith.index_cast %scan3A_161 : i32 to index
      %swap3A_210 = arith.constant 80 : index
      %swap3A_211 = tpu.vector_load %arg10[%swap3A_209, %swap3A_210] {strides = array<i32>} : memref<200x128xf32, #tpu.memory_space<vmem>>, vector<1x16xf32>,
      %swap3A_212 = vector.shape_cast %swap3A_211 : vector<1x16xf32> to vector<16xf32>
      %swap3A_213 = vector.shape_cast %get3A_208 : vector<16xf32> to vector<1x16xf32>
      tpu.vector_store %arg10[%swap3A_209, %swap3A_210], %swap3A_213 {add = true, strides = array<i32>} : memref<200x128xf32, #tpu.memory_space<vmem>>, vector<1x16xf32>,
      %get3A_214 = arith.index_cast %scan3A_161 : i32 to index
      %get3A_215 = arith.constant 96 : index
      %get3A_216 = tpu.vector_load %arg12[%get3A_214, %get3A_215] {strides = array<i32>} : memref<200x128xf32, #tpu.memory_space<vmem>>, vector<1x16xf32>,
      %get3A_217 = vector.shape_cast %get3A_216 : vector<1x16xf32> to vector<16xf32>
      %swap3A_218 = arith.index_cast %scan3A_161 : i32 to index
      %swap3A_219 = arith.constant 96 : index
      %swap3A_220 = tpu.vector_load %arg10[%swap3A_218, %swap3A_219] {strides = array<i32>} : memref<200x128xf32, #tpu.memory_space<vmem>>, vector<1x16xf32>,
      %swap3A_221 = vector.shape_cast %swap3A_220 : vector<1x16xf32> to vector<16xf32>
      %swap3A_222 = vector.shape_cast %get3A_217 : vector<16xf32> to vector<1x16xf32>
      tpu.vector_store %arg10[%swap3A_218, %swap3A_219], %swap3A_222 {add = true, strides = array<i32>} : memref<200x128xf32, #tpu.memory_space<vmem>>, vector<1x16xf32>,
      %get3A_223 = arith.index_cast %scan3A_161 : i32 to index
      %get3A_224 = arith.constant 112 : index
      %get3A_225 = tpu.vector_load %arg12[%get3A_223, %get3A_224] {strides = array<i32>} : memref<200x128xf32, #tpu.memory_space<vmem>>, vector<1x16xf32>,
      %get3A_226 = vector.shape_cast %get3A_225 : vector<1x16xf32> to vector<16xf32>
      %swap3A_227 = arith.index_cast %scan3A_161 : i32 to index
      %swap3A_228 = arith.constant 112 : index
      %swap3A_229 = tpu.vector_load %arg10[%swap3A_227, %swap3A_228] {strides = array<i32>} : memref<200x128xf32, #tpu.memory_space<vmem>>, vector<1x16xf32>,
      %swap3A_230 = vector.shape_cast %swap3A_229 : vector<1x16xf32> to vector<16xf32>
      %swap3A_231 = vector.shape_cast %get3A_226 : vector<16xf32> to vector<1x16xf32>
      tpu.vector_store %arg10[%swap3A_227, %swap3A_228], %swap3A_231 {add = true, strides = array<i32>} : memref<200x128xf32, #tpu.memory_space<vmem>>, vector<1x16xf32>,
    }
    %scan3A_122 = arith.constant 200 : i32
    %dma_start3A_123 = arith.constant 0 : i32
    %dma_start3A_124 = arith.constant 0 : i32
    %dma_start3A_125 = tpu.memref_slice %arg5[%add3A_100, %dma_start3A_123, %dma_start3A_124] : memref<4096x200x128xf32, #tpu.memory_space<hbm>> -> memref<1x200x128xf32, #tpu.memory_space<hbm>>
    %dma_start3A_126 = tpu.memref_squeeze %dma_start3A_125 : memref<1x200x128xf32, #tpu.memory_space<hbm>> -> memref<200x128xf32, #tpu.memory_space<hbm>>
    %dma_start3A_127 = arith.constant 0 : i32
    %dma_start3A_128 = arith.constant 0 : i32
    %dma_start3A_129 = tpu.memref_slice %arg5[%add3A_100, %dma_start3A_127, %dma_start3A_128] : memref<4096x200x128xf32, #tpu.memory_space<hbm>> -> memref<1x200x128xf32, #tpu.memory_space<hbm>>
    %dma_start3A_130 = tpu.memref_squeeze %dma_start3A_129 : memref<1x200x128xf32, #tpu.memory_space<hbm>> -> memref<200x128xf32, #tpu.memory_space<hbm>>
    tpu.enqueue_dma source(%arg10 : memref<200x128xf32, #tpu.memory_space<vmem>>) target(%dma_start3A_130 : memref<200x128xf32, #tpu.memory_space<hbm>>) target_semaphore(%arg17 : memref<!tpu.dma_semaphore, #tpu.memory_space<semaphore_mem>>)
    %add3A_131 = arith.constant 125 : i32
    %add3A_132 = arith.addi %mul3A_2, %add3A_131 : i32
    %dma_wait3A_133 = arith.constant 0 : i32
    %dma_wait3A_134 = arith.constant 0 : i32
    %dma_wait3A_135 = tpu.memref_slice %arg5[%add3A_132, %dma_wait3A_133, %dma_wait3A_134] : memref<4096x200x128xf32, #tpu.memory_space<hbm>> -> memref<1x200x128xf32, #tpu.memory_space<hbm>>
    %dma_wait3A_136 = tpu.memref_squeeze %dma_wait3A_135 : memref<1x200x128xf32, #tpu.memory_space<hbm>> -> memref<200x128xf32, #tpu.memory_space<hbm>>
    %dma_wait3A_137 = arith.constant 0 : i32
    %dma_wait3A_138 = arith.constant 0 : i32
    %dma_wait3A_139 = tpu.memref_slice %arg5[%add3A_132, %dma_wait3A_137, %dma_wait3A_138] : memref<4096x200x128xf32, #tpu.memory_space<hbm>> -> memref<1x200x128xf32, #tpu.memory_space<hbm>>
    %dma_wait3A_140 = tpu.memref_squeeze %dma_wait3A_139 : memref<1x200x128xf32, #tpu.memory_space<hbm>> -> memref<200x128xf32, #tpu.memory_space<hbm>>
    tpu.wait_dma2 semaphore(%arg18 : memref<!tpu.dma_semaphore, #tpu.memory_space<semaphore_mem>>) src(%arg11 : memref<200x128xf32, #tpu.memory_space<vmem>>) dst(%dma_wait3A_140 : memref<200x128xf32, #tpu.memory_space<hbm>>)
    %add3A_141 = arith.constant 126 : i32
    %add3A_142 = arith.addi %mul3A_2, %add3A_141 : i32
    %dma_wait3A_143 = arith.constant 0 : i32
    %dma_wait3A_144 = arith.constant 0 : i32
    %dma_wait3A_145 = tpu.memref_slice %arg5[%add3A_142, %dma_wait3A_143, %dma_wait3A_144] : memref<4096x200x128xf32, #tpu.memory_space<hbm>> -> memref<1x200x128xf32, #tpu.memory_space<hbm>>
    %dma_wait3A_146 = tpu.memref_squeeze %dma_wait3A_145 : memref<1x200x128xf32, #tpu.memory_space<hbm>> -> memref<200x128xf32, #tpu.memory_space<hbm>>
    %dma_wait3A_147 = arith.constant 0 : i32
    %dma_wait3A_148 = arith.constant 0 : i32
    %dma_wait3A_149 = tpu.memref_slice %arg5[%add3A_142, %dma_wait3A_147, %dma_wait3A_148] : memref<4096x200x128xf32, #tpu.memory_space<hbm>> -> memref<1x200x128xf32, #tpu.memory_space<hbm>>
    %dma_wait3A_150 = tpu.memref_squeeze %dma_wait3A_149 : memref<1x200x128xf32, #tpu.memory_space<hbm>> -> memref<200x128xf32, #tpu.memory_space<hbm>>
    tpu.wait_dma2 semaphore(%arg16 : memref<!tpu.dma_semaphore, #tpu.memory_space<semaphore_mem>>) src(%arg9 : memref<200x128xf32, #tpu.memory_space<vmem>>) dst(%dma_wait3A_150 : memref<200x128xf32, #tpu.memory_space<hbm>>)
    %add3A_151 = arith.constant 127 : i32
    %add3A_152 = arith.addi %mul3A_2, %add3A_151 : i32
    %dma_wait3A_153 = arith.constant 0 : i32
    %dma_wait3A_154 = arith.constant 0 : i32
    %dma_wait3A_155 = tpu.memref_slice %arg5[%add3A_152, %dma_wait3A_153, %dma_wait3A_154] : memref<4096x200x128xf32, #tpu.memory_space<hbm>> -> memref<1x200x128xf32, #tpu.memory_space<hbm>>
    %dma_wait3A_156 = tpu.memref_squeeze %dma_wait3A_155 : memref<1x200x128xf32, #tpu.memory_space<hbm>> -> memref<200x128xf32, #tpu.memory_space<hbm>>
    %dma_wait3A_157 = arith.constant 0 : i32
    %dma_wait3A_158 = arith.constant 0 : i32
    %dma_wait3A_159 = tpu.memref_slice %arg5[%add3A_152, %dma_wait3A_157, %dma_wait3A_158] : memref<4096x200x128xf32, #tpu.memory_space<hbm>> -> memref<1x200x128xf32, #tpu.memory_space<hbm>>
    %dma_wait3A_160 = tpu.memref_squeeze %dma_wait3A_159 : memref<1x200x128xf32, #tpu.memory_space<hbm>> -> memref<200x128xf32, #tpu.memory_space<hbm>>
    tpu.wait_dma2 semaphore(%arg17 : memref<!tpu.dma_semaphore, #tpu.memory_space<semaphore_mem>>) src(%arg10 : memref<200x128xf32, #tpu.memory_space<vmem>>) dst(%dma_wait3A_160 : memref<200x128xf32, #tpu.memory_space<hbm>>)
    return
  }
}

</mosaic_0001>

<sc_bundles>
// kernel: kernel.3.cloned.1.call-start
scs
__scs_entry_jumppad:
0x0: {  	(pc) =	sbr.rel $0x88, $3  }
0x1: {  	(tag) =	ssettag $0x0;
	lr =	simm.s32 $0x1  }
0x2: {  	[smem:$0x3F9E] =	sst lr;
	_ =	strace $0xD0000000  }
0x3: {  	_ = 	snop  }
0x4: {  	_ = 	snop  }
0x5: {  	_ = 	snop  }
0x6: {  	_ = 	snop  }
0x7: {  	_ = 	snop  }
__scs_overlays_trampoline_lowered:
0x8: {  	[smem:$0x3FAD] =	sst s0  }
0x9: {  	[smem:$0x3FAE] =	sst s1  }
0xa: {  	[smem:$0x3FAF] =	sst s2  }
0xb: {  	[smem:$0x3FB0] =	sst s3  }
0xc: {  	[smem:$0x3FB1] =	sst s4  }
0xd: {  	[smem:$0x3FB2] =	sst s5  }
0xe: {  	[smem:$0x3FB3] =	sst s6  }
0xf: {  	[smem:$0x3FB4] =	sst s7  }
0x10: {  	[smem:$0x3FB5] =	sst s8  }
0x11: {  	[smem:$0x3FB6] =	sst s9;
	s0 =	simm.s32 @!p0 $0x0  }
0x12: {  	s1 =	sld [smem:$0x3F9C];
	s0 =	simm.s32 @p0 $0x1  }
0x13: {  	[smem:$0x3FB7] =	sst s0;
	s0 =	simm.s32 @!p1 $0x0  }
0x14: {  	s2 =	sld [smem:$0x3F9B];
	s0 =	simm.s32 @p1 $0x1  }
0x15: {  	[smem:$0x3FB8] =	sst s0;
	s0 =	simm.s32 @!p2 $0x0  }
0x16: {  	s3 =	sld [smem:$0x3FDB];
	s0 =	simm.s32 @p2 $0x1  }
0x17: {  	s4 =	simm.s32 $0x1BF5;
	[smem:$0x3FBA] =	sst s0  }
0x18: {  	s0 =	sld [smem:$0x3F9D];
	_ =	swait.ge [sflag:s4], $0x0  }
0x19: {  	s7 =	sld [smem:$0x3F9E]  }
0x1a: {  	s8 =	sadd.s32 $0xFFFFE003, lr  }
0x1b: {  	s9 =	sadd.s32 $0xFFFFFEF7, lr;
	s5 =	simm.s32 $0xFFFFFFFF;
	p2 =	slt.u32 s8, $0xFFFFF086  }
0x1c: {  	p1 =	slt.u32 s9, $0xF7A;
	s5 =	simm.s32 @!p2 $0x0  }
0x1d: {  	s5 =	simm.s32 @p1 $0x1;
	p0 =	seq.s32 s7, s2  }
0x1e: {  	s7 =	smul.u32 @!p0 $0xF7A, s2;
	p2 =	seq.s32 @!p0 s5, $0x0  }
0x1f: {  	s9 =	smul.u32 $0xF7A, s1;
	s8 =	simm.s32 @!p0 $0x1BF5;
	p2 =	por !p2, p0  }
0x20: {  	[sflag:s8] =	ssyncset.s32 @!p0 $0xFFFFF086;
	s6 =	sadd.s32 @!p0 s3, s7;
	s7 =	simm.s32 @!p0 $0x108  }
0x21: {  	s3 =	sadd.s32 s3, s9;
	s6 =	sadd.s32 @!p0 $0x88, s6;
	s7 =	simm.s32 @p2 $0x1082  }
0x22: {  	[simem:s7], [sflag:s8] =	dma.local @!p0 [hbm:s6], $0xF7A  }
0x23: {  	s9 =	sor.u32 $0xD0000000, s2;
	s6 =	simm.s32 $0x108;
	_ =	swait.ge @!p0 [sflag:s8], $0x0  }
0x24: {  	s3 =	sadd.s32 $0x88, s3;
	s6 =	simm.s32 @!p1 $0x1082;
	[sflag:s4] =	ssyncset.s32 $0xFFFFF086  }
0x25: {  	[simem:s6], [sflag:s4] =	dma.local [hbm:s3], $0xF7A  }
0x26: {  	[smem:$0x3F9E] =	sst s1;
	(tag) =	ssettag s2;
	_ =	strace s9  }
0x27: {  	s1 =	sld [smem:$0x3FAE]  }
0x28: {  	s2 =	sld [smem:$0x3FAF]  }
0x29: {  	s4 =	sld [smem:$0x3FB1]  }
0x2a: {  	p0 =	seq.s32 s5, $0x0;
	s5 =	sld [smem:$0x3FB2]  }
0x2b: {  	s6 =	sld [smem:$0x3FB3]  }
0x2c: {  	s7 =	sld [smem:$0x3FB4]  }
0x2d: {  	s3 =	simm.s32 $0x108;
	s8 =	sld [smem:$0x3FB5]  }
0x2e: {  	s3 =	simm.s32 @!p0 $0x1082;
	s9 =	sld [smem:$0x3FB6]  }
0x2f: {  	lr =	sadd.s32 s0, s3;
	s0 =	sld [smem:$0x3FAD]  }
0x30: {  	s3 =	sld [smem:$0x3FB0]  }
0x31: {  	[smem:$0x3FB9] =	sst s10  }
0x32: {  	s10 =	sld [smem:$0x3FB7];
	_ =	sdelay $0x3  }
0x33: {  	p0 =	seq.s32 s10, $0x1;
	s10 =	sld [smem:$0x3FB9];
	_ =	sdelay $0x3  }
0x34: {  	[smem:$0x3FB9] =	sst s10  }
0x35: {  	s10 =	sld [smem:$0x3FB8];
	_ =	sdelay $0x3  }
0x36: {  	p1 =	seq.s32 s10, $0x1;
	s10 =	sld [smem:$0x3FB9];
	_ =	sdelay $0x3  }
0x37: {  	[smem:$0x3FB9] =	sst s10  }
0x38: {  	s10 =	sld [smem:$0x3FBA]  }
0x39: {  	_ = 	snop;
	(pc) =	sbr.ind lr, $3  }
0x3a: {  	_ = 	snop  }
0x3b: {  	_ = 	snop  }
0x3c: {  	p2 =	seq.s32 s10, $0x1;
	s10 =	sld [smem:$0x3FB9]  }
0x3d: {  	_ =	shalt  }
0x3e: {  	_ =	shalt  }
0x3f: {  	_ =	shalt  }
0x40: {  	_ =	shalt  }
0x41: {  	_ =	shalt  }
0x42: {  	_ =	shalt  }
0x43: {  	_ =	shalt  }
0x44: {  	_ =	shalt  }
0x45: {  	_ =	shalt  }
0x46: {  	_ =	shalt  }
0x47: {  	_ =	shalt  }
0x48: {  	_ =	shalt  }
0x49: {  	_ =	shalt  }
0x4a: {  	_ =	shalt  }
0x4b: {  	_ =	shalt  }
0x4c: {  	_ =	shalt  }
0x4d: {  	_ =	shalt  }
0x4e: {  	_ =	shalt  }
0x4f: {  	_ =	shalt  }
0x50: {  	_ =	shalt  }
0x51: {  	_ =	shalt  }
0x52: {  	_ =	shalt  }
0x53: {  	_ =	shalt  }
0x54: {  	_ =	shalt  }
0x55: {  	_ =	shalt  }
0x56: {  	_ =	shalt  }
0x57: {  	_ =	shalt  }
0x58: {  	_ =	shalt  }
0x59: {  	_ =	shalt  }
0x5a: {  	_ =	shalt  }
0x5b: {  	_ =	shalt  }
0x5c: {  	_ =	shalt  }
0x5d: {  	_ =	shalt  }
0x5e: {  	_ =	shalt  }
0x5f: {  	_ =	shalt  }
0x60: {  	_ =	shalt  }
0x61: {  	_ =	shalt  }
0x62: {  	_ =	shalt  }
0x63: {  	_ =	shalt  }
0x64: {  	_ =	shalt  }
0x65: {  	_ =	shalt  }
0x66: {  	_ =	shalt  }
0x67: {  	_ =	shalt  }
0x68: {  	_ =	shalt  }
0x69: {  	_ =	shalt  }
0x6a: {  	_ =	shalt  }
0x6b: {  	_ =	shalt  }
0x6c: {  	_ =	shalt  }
0x6d: {  	_ =	shalt  }
0x6e: {  	_ =	shalt  }
0x6f: {  	_ =	shalt  }
0x70: {  	_ =	shalt  }
0x71: {  	_ =	shalt  }
0x72: {  	_ =	shalt  }
0x73: {  	_ =	shalt  }
0x74: {  	_ =	shalt  }
0x75: {  	_ =	shalt  }
0x76: {  	_ =	shalt  }
0x77: {  	_ =	shalt  }
0x78: {  	_ =	shalt  }
0x79: {  	_ =	shalt  }
0x7a: {  	_ =	shalt  }
0x7b: {  	_ =	shalt  }
0x7c: {  	_ =	shalt  }
0x7d: {  	_ =	shalt  }
0x7e: {  	_ =	shalt  }
0x7f: {  	_ =	shalt  }
0x80: {  	_ =	shalt  }
0x81: {  	_ =	shalt  }
0x82: {  	_ =	shalt  }
0x83: {  	_ =	shalt  }
0x84: {  	_ =	shalt  }
0x85: {  	_ =	shalt  }
0x86: {  	_ =	shalt  }
0x87: {  	_ =	shalt  }
.Lfunc_end0:
.L_simem_size_0:
called_computation_lowered:
.L_overlay_start_0:
0x88: {  	s2 =	sld [smem:$0x3FD9]  }
0x89: {  	s3 =	sld [smem:$0x3FFE];
	_ =	sdelay $0x1  }
0x8a: {  	s1 =	srdreg.scid  }
0x8b: {  	s0 =	sand.u32 $0x1, s1  }
0x8c: {  	s17 =	sshll.u32 s0, $0xA;
	s2 =	sadd.s32 s3, s2  }
0x8d: {  	s2 =	sadd.s32 s2, s17  }
0x8e: {  	[smem:$0x3FC5] =	sst s2  }
0x8f: {  	_ = 	snop  }
0x90: {  	s2 =	sld [smem:$0x3FC8]  }
0x91: {  	s18 =	sld [smem:$0x3FC7]  }
0x92: {  	s4 =	sld [smem:$0x3FD0];
	(tm) =	ssettm $0x1  }
0x93: {  	s5 =	sld [smem:$0x3FFB];
	_ =	sdelay $0x3  }
0x94: {  	_ =	strace s5  }
0x95: {  	s5 =	sld [smem:$0x3FFC];
	_ =	sdelay $0x3  }
0x96: {  	_ =	strace s5  }
0x97: {  	s5 =	sld [smem:$0x3FFD];
	_ =	sdelay $0x3  }
0x98: {  	_ =	strace s5  }
0x99: {  	_ =	strace $0x8FFFFFFF  }
0x9a: {  	s19 =	sld [smem:$0x3FDB];
	_ =	sdelay $0x1  }
0x9b: {  	s6 =	simm.s32 $_scs_section_size  }
0x9c: {  	s7 =	simm.s32 $_size__tile_overlayer_lowered;
	s8 =	simm.s32 $_tile_overlayer_lowered  }
0x9d: {  	s22 =	simm.s32 $0x1BFF;
	s21 =	sshll.u32 s8, $0x1;
	s5 =	sadd.s32 s6, s19  }
0x9e: {  	s9 =	simm.s32 $0x0;
	s20 =	sshll.u32 s7, $0x1;
	s7 =	sadd.s32 s21, s5  }
0x9f: {  	[timem:s9], [sflag:s22] =	dma.local [hbm:s7], s20  }
0xa0: {  	_ =	swait.ge [sflag:s22], s20  }
0xa1: {  	s6 =	ssub.s32 $0x0, s20;
	[sflag:s22] =	ssyncset.done $0x0  }
0xa2: {  	[sflag:s22] =	ssyncadd.s32 s6;
	_ =	sdelay $0x1  }
0xa3: {  	s23 =	simm.s32 $0x1B8B  }
0xa4: {  	_ =	swait.ge [sflag:s23], $0x1  }
0xa5: {  	[sflag:s23] =	ssyncset.done $0x0  }
0xa6: {  	s25 =	simm.s32 $0x1B8E;
	s24 =	sld [smem:$0x3FFE];
	[sflag:s23] =	ssyncadd.s32 $0xFFFFFFFF  }
0xa7: {  	s26 =	simm.s32 $execute0_lowered;
	[smem:$0x3FD2] =	sst s25  }
0xa8: {  	s7 =	sshll.u32 s26, $0x1;
	_ =	strace $0x80000046;
	[dreg:$0x1] =	wrdreg $0xFFFFFFFF  }
0xa9: {  	s28 =	simm.s32 $_size_execute0_lowered;
	s5 =	sadd.s32 s5, s7;
	[dreg:$0x0] =	wrdreg $0x0  }
0xaa: {  	s7 =	sshll.u32 s28, $0x1;
	[dreg:$0x2] =	wrdreg s5  }
0xab: {  	[dreg:$0x3] =	wrdreg s7  }
0xac: {  	[dreg:$0x4] =	wrdreg $0xC0  }
0xad: {  	_ =	task [dreg:s9], $0x5FFFF  }
0xae: {  	[dreg:$0x1] =	wrdreg $0xFFFFFFFF  }
0xaf: {  	[dreg:$0x0] =	wrdreg $0x60  }
0xb0: {  	[dreg:$0x2] =	wrdreg s24  }
0xb1: {  	[dreg:$0x3] =	wrdreg s2  }
0xb2: {  	[dreg:$0x4] =	wrdreg s18  }
0xb3: {  	[dreg:$0x5] =	wrdreg s4  }
0xb4: {  	[dreg:$0x6] =	wrdreg $0x9  }
0xb5: {  	_ =	task.clear_ibuf [dreg:s9], $0x7FFFF;
	_ =	strace $0x90000046  }
0xb6: {  	s29 =	simm.s32 $0x9;
	_ =	strace $0x80000048  }
0xb7: {  	_ =	swait.ge [sflag:s29], $0x1  }
0xb8: {  	[sflag:s29] =	ssyncadd.s32 $0xFFFFFFFF  }
0xb9: {  	_ =	strace $0x90000048  }
0xba: {  	_ =	sfence  }
0xbb: {  	s30 =	sld [smem:$0x0];
	_ =	sdelay $0x2  }
0xbc: {  	s31 =	sshll.u32 s1, $0xD;
	s1 =	sshrl.u32 s1, $0x2  }
0xbd: {  	s3 =	sand.u32 $0x4000, s31;
	s1 =	sadd.s32 s1, s30  }
0xbe: {  	s0 =	sor.u32 s3, s0;
	s1 =	sshll.u32 s1, $0x11  }
0xbf: {  	s0 =	sor.u32 s1, s0  }
0xc0: {  	s0 =	sadd.s32 $0x8F2B, s0  }
0xc1: {  	[sflag:s0] =	ssyncadd.remote.s32 $0x1  }
0xc2: {  	_ =	sfence.sel $0xFFFF  }
0xc3: {  	[dreg:$0x0] =	wrdreg $0xFFFFFFFF;
	(pc) =	sbr.abs _section_cstart, $3  }
0xc4: {  	[dreg:$0x1] =	wrdreg $0xFFFFFFFF  }
0xc5: {  	_ =	task.clear_ibuf [dreg:s9], $0x2FFFF;
	_ =	strace $0x9FFFFFFF  }
0xc6: {  	(tm) =	ssettm $0x7FFFFFFF  }
0xc7: {  	_ =	shalt  }
tec
execute0_lowered:
.L_overlay_start_1:
0x0: {  	(tag) =	ssettag $0x1  }
0x1: {  	s0 =	rddreg [dreg:$0x0]  }
0x2: {  	s1 =	rddreg [dreg:$0x1]  }
0x3: {  	s3 =	rddreg [dreg:$0x3]  }
0x4: {  	s5 =	simm.s32 $0x0;
	s2 =	srdreg.scid;
	s6 =	stileid.u32  }
0x5: {  	s17 =	simm.s32 $0x80;
	s18 =	simm.s32 $0x400;
	s19 =	simm.s32 $0x300  }
0x6: {  	s20 =	simm.s32 $0x48;
	s21 =	simm.s32 $0x4300;
	s28 =	simm.s32 $0xA700  }
0x7: {  	s29 =	simm.s32 $0x200;
	s30 =	simm.s32 $0x2;
	s31 =	simm.s32 $0x9  }
0x8: {  	s15 =	simm.s32 $0x3;
	s11 =	simm.s32 $0x7;
	s12 =	simm.s32 $0x0  }
0x9: {  	[smem:$0x7FF] =	sst s5;
	s2 =	sand.u32 $0x1, s2;
	s7 =	sshll.u32 s6, $0x8  }
0xa: {  	s6 =	sadd.s32 $0x400, s0;
	s4 =	ssub.s32 $0x2, s2;
	s2 =	sshll.u32 s2, $0x7  }
0xb: {  	_ =	strace $0x80000047;
	s22 =	sshrl.u32 s4, $0x1;
	s7 =	sor.u32 s2, s7  }
0xc: {  	s2 =	sshll.u32 s7, $0x5;
	s8 =	sor.u32 $0x7F, s7;
	s10 =	smul.u32 $0x6400, s7  }
0xd: {  	s0 =	ssub.s32 s4, s22;
	s9 =	sor.u32 $0x1, s7;
	s22 =	simm.s32 $0x100  }
0xe: {  	s2 =	sadd.s32 s6, s2;
	s23 =	sshll.u32 s8, $0x5;
	s8 =	smul.u32 $0xC80, s8  }
0xf: {  	s0 =	smax.u32 s0, $0x1;
	[dreg:$0x5] =	wrdreg s2;
	s2 =	sand.u32 $0x1FF00, s23  }
0x10: {  	s24 =	sshrl.u32 s10, $0x3;
	s10 =	sor.u32 $0x2, s7;
	[dreg:$0x9] =	wrdreg s0  }
0x11: {  	s23 =	simm.s32 $0x1;
	s0 =	simm.s32 $0xCB00;
	s2 =	sadd.s32 s2, s6  }
0x12: {  	s4 =	sadd.s32 s3, s24;
	s26 =	sadd.s32 s3, s8;
	s24 =	simm.s32 $0x8  }
0x13: {  	s8 =	simm.s32 $0x4;
	s2 =	sadd.s32 $0x70, s2;
	[dreg:$0x8] =	wrdreg s26  }
0x14: {  	s25 =	sadd.s32 $0x62700, s4;
	s26 =	simm.s32 $0x180;
	[dreg:$0x6] =	wrdreg s2  }
0x15: {  	[dreg:$0x7] =	wrdreg s25;
	s25 =	simm.s32 $0x6700;
	s2 =	simm.s32 $0x10B00  }
.LBB2_1:
0x16: {  	[dreg:$0xa] =	wrdreg s12  }
0x17: {  	s4 =	rddreg [dreg:$0x2];
	s13 =	simm.s32 $0x12F00;
	s14 =	simm.s32 $0xA  }
0x18: {  	[tilespmem:s13], [sflag:$0xA] =	stream.linear.gather [hbm4b:s4+s5], $0x6400, $0x38;
	[tilespmem:$0x19300] =	vst v63  }
0x19: {  	_ =	swait.ge [sflag:s14], $0x6400  }
0x1a: {  	[sflag:s14] =	ssyncset.done $0x0  }
0x1b: {  	s16 =	rddreg [dreg:$0x5];
	[sflag:s14] =	ssyncadd.s32 $0xFFFF9C00  }
0x1c: {  	[tilespmem:s5], [sflag:$0xA] =	stream.strided.gather [hbm4b:s16+s17], $0x100, s18, s17, $0x38;
	[tilespmem:$0x19300] =	vst v63  }
0x1d: {  	_ =	swait.ge [sflag:s14], $0x100  }
0x1e: {  	[sflag:s14] =	ssyncset.done $0x0  }
0x1f: {  	[sflag:s14] =	ssyncadd.s32 $0xFFFFFF00  }
0x20: {  	[tilespmem:s19], [sflag:$0x1] =	stream.indirect.gather [hbm4b:s1+s17], $0x80, s5, s17, $0xb8;
	[tilespmem:$0x19300] =	vst v63  }
0x21: {  	s13 =	simm.s32 $0x0  }
0x22: {  	[tilespmem:s21], [sflag:$0x1] =	stream.indirect.gather [hbm4b:s1+s20], $0x80, s17, s20, $0xb8;
	[tilespmem:$0x19300] =	vst v63  }
.LBB2_2:
0x23: {  	s16 =	smul.u32 $0x3, s13;
	_ =	sdelay $0x1  }
0x24: {  	s12 =	sadd.s32 s7, s16  }
0x25: {  	s4 =	sadd.s32 $0x1, s12  }
0x26: {  	s14 =	sshll.u32 s4, $0x4  }
0x27: {  	s4 =	sshll.u32 s4, $0x5;
	s14 =	sand.u32 $0x70, s14  }
0x28: {  	s4 =	sand.u32 $0xFFFFF00, s4;
	s14 =	sadd.s32 s6, s14  }
0x29: {  	s4 =	sadd.s32 s4, s14  }
0x2a: {  	[tilespmem:s22], [sflag:$0x8] =	stream.strided.gather [hbm4b:s4+s17], $0x100, s18, s17, $0x38;
	[tilespmem:$0x19300] =	vst v63  }
0x2b: {  	_ =	swait.ge [sflag:s23], $0x4000  }
0x2c: {  	[sflag:s23] =	ssyncset.done $0x0  }
0x2d: {  	[sflag:s23] =	ssyncadd.s32 $0xFFFFC000  }
0x2e: {  	_ =	swait.ge [sflag:s23], $0x2400  }
0x2f: {  	p0 =	seq.s32 s13, $0x0;
	[sflag:s23] =	ssyncset.done $0x0  }
0x30: {  	s4 =	simm.s32 @!p0 $0x5;
	[sflag:s23] =	ssyncadd.s32 $0xFFFFDC00  }
0x31: {  	_ =	swait.ge @!p0 [sflag:s4], $0x6400  }
0x32: {  	[sflag:s4] =	ssyncset.done @!p0 $0x0  }
0x33: {  	[sflag:s4] =	ssyncadd.s32 @!p0 $0xFFFF9C00  }
0x34: {  	_ =	swait.ge [sflag:s24], $0x100  }
0x35: {  	[sflag:s24] =	ssyncset.done $0x0  }
0x36: {  	[sflag:s24] =	ssyncadd.s32 $0xFFFFFF00  }
0x37: {  	[tilespmem:s25], [sflag:$0x2] =	stream.indirect.gather [hbm4b:s1+s17], $0x80, s22, s17, $0xb8;
	[tilespmem:$0x19300] =	vst v63  }
0x38: {  	s14 =	simm.s32 $0x0;
	s4 =	simm.s32 $0x200  }
0x39: {  	[tilespmem:s28], [sflag:$0x2] =	stream.indirect.gather [hbm4b:s1+s20], $0x80, s26, s20, $0xb8;
	[tilespmem:$0x19300] =	vst v63  }
.LBB2_3:
0x3a: {  	p1 =	sne.s32 s4, $0x18E00;
	v0 =	vld [tilespmem:s14+$0x12F70]  }
0x3b: {  	v1 =	vld [tilespmem:s14+$0x12F00]  }
0x3c: {  	v2 =	vld [tilespmem:s14+$0x12F10]  }
0x3d: {  	v3 =	vld [tilespmem:s14+$0x12F20]  }
0x3e: {  	v4 =	vld [tilespmem:s14+$0x12F30]  }
0x3f: {  	[tilespmem:s14+$0x370] =	vst.add.f32.msk $0xffff, v0  }
0x40: {  	v0 =	vld [tilespmem:s14+$0x12F40]  }
0x41: {  	v5 =	vld [tilespmem:s14+$0x12F50]  }
0x42: {  	v6 =	vld [tilespmem:s14+$0x12F60]  }
0x43: {  	[tilespmem:s14+$0x300] =	vst.add.f32.msk $0xffff, v1  }
0x44: {  	[tilespmem:s14+$0x310] =	vst.add.f32.msk $0xffff, v2  }
.Ltmp0:
0x45: {  	[tilespmem:s14+$0x320] =	vst.add.f32.msk $0xffff, v3;
	(pc) =	sbr.rel @p1 .LBB2_3-.Ltmp0, $4  }
0x46: {  	[tilespmem:s14+$0x330] =	vst.add.f32.msk $0xffff, v4  }
0x47: {  	[tilespmem:s14+$0x340] =	vst.add.f32.msk $0xffff, v0  }
0x48: {  	[tilespmem:s14+$0x350] =	vst.add.f32.msk $0xffff, v5  }
0x49: {  	[tilespmem:s14+$0x360] =	vst.add.f32.msk $0xffff, v6;
	s14 =	sshra.s32 s4, $0x2;
	s4 =	sadd.s32 $0x200, s4  }
0x4a: {  	v0 =	vld [tilespmem:s14+$0x12F70]  }
0x4b: {  	v1 =	vld [tilespmem:s14+$0x12F00]  }
0x4c: {  	v2 =	vld [tilespmem:s14+$0x12F10]  }
0x4d: {  	v3 =	vld [tilespmem:s14+$0x12F20]  }
0x4e: {  	v4 =	vld [tilespmem:s14+$0x12F30]  }
0x4f: {  	v63 =	vld [tilespmem:s14+$0x12F40]  }
0x50: {  	v5 =	vld [tilespmem:s14+$0x12F50]  }
0x51: {  	v6 =	vld [tilespmem:s14+$0x12F60]  }
0x52: {  	[tilespmem:s14+$0x370] =	vst.add.f32.msk $0xffff, v0  }
0x53: {  	[tilespmem:s14+$0x300] =	vst.add.f32.msk $0xffff, v1  }
0x54: {  	[tilespmem:s14+$0x310] =	vst.add.f32.msk $0xffff, v2  }
0x55: {  	[tilespmem:s14+$0x320] =	vst.add.f32.msk $0xffff, v3  }
0x56: {  	[tilespmem:s14+$0x330] =	vst.add.f32.msk $0xffff, v4  }
0x57: {  	s4 =	smul.u32 $0xC80, s12;
	[tilespmem:s14+$0x340] =	vst.add.f32.msk $0xffff, v63  }
0x58: {  	[tilespmem:s14+$0x350] =	vst.add.f32.msk $0xffff, v5  }
0x59: {  	s12 =	sadd.s32 s16, s9;
	s4 =	sadd.s32 s3, s4;
	[tilespmem:s14+$0x360] =	vst.add.f32.msk $0xffff, v6  }
0x5a: {  	[hbm4b:s4+s5] =	stream.linear.scatter [tilespmem:s19], [sflag:$0x4], $0x6400, $0x38;
	[tilespmem:$0x19300] =	vst v63  }
0x5b: {  	s4 =	sadd.s32 $0x1, s12  }
0x5c: {  	s14 =	sshll.u32 s4, $0x4  }
0x5d: {  	s4 =	sshll.u32 s4, $0x5;
	s14 =	sand.u32 $0x70, s14  }
0x5e: {  	s4 =	sand.u32 $0xFFFFF00, s4;
	s14 =	sadd.s32 s6, s14  }
0x5f: {  	s4 =	sadd.s32 s4, s14  }
0x60: {  	[tilespmem:s29], [sflag:$0x9] =	stream.strided.gather [hbm4b:s4+s17], $0x100, s18, s17, $0x38;
	[tilespmem:$0x19300] =	vst v63  }
0x61: {  	_ =	swait.ge [sflag:s30], $0x4000  }
0x62: {  	[sflag:s30] =	ssyncset.done $0x0  }
0x63: {  	[sflag:s30] =	ssyncadd.s32 $0xFFFFC000  }
0x64: {  	_ =	swait.ge [sflag:s30], $0x2400  }
0x65: {  	[sflag:s30] =	ssyncset.done $0x0  }
0x66: {  	s4 =	simm.s32 @!p0 $0x6;
	[sflag:s30] =	ssyncadd.s32 $0xFFFFDC00  }
0x67: {  	_ =	swait.ge @!p0 [sflag:s4], $0x6400  }
0x68: {  	[sflag:s4] =	ssyncset.done @!p0 $0x0  }
0x69: {  	[sflag:s4] =	ssyncadd.s32 @!p0 $0xFFFF9C00  }
0x6a: {  	_ =	swait.ge [sflag:s31], $0x100  }
0x6b: {  	[sflag:s31] =	ssyncset.done $0x0  }
0x6c: {  	[sflag:s31] =	ssyncadd.s32 $0xFFFFFF00  }
0x6d: {  	[tilespmem:s0], [sflag:$0x3] =	stream.indirect.gather [hbm4b:s1+s17], $0x80, s29, s17, $0xb8;
	[tilespmem:$0x19300] =	vst v63  }
0x6e: {  	s14 =	simm.s32 $0x280  }
0x6f: {  	[tilespmem:s2], [sflag:$0x3] =	stream.indirect.gather [hbm4b:s1+s20], $0x80, s14, s20, $0xb8;
	[tilespmem:$0x19300] =	vst v63  }
0x70: {  	s4 =	simm.s32 $0x200;
	s14 =	simm.s32 $0x0  }
.LBB2_5:
0x71: {  	p0 =	sne.s32 s4, $0x18E00;
	v0 =	vld [tilespmem:s14+$0x12F70]  }
0x72: {  	v1 =	vld [tilespmem:s14+$0x12F00]  }
0x73: {  	v2 =	vld [tilespmem:s14+$0x12F10]  }
0x74: {  	v3 =	vld [tilespmem:s14+$0x12F20]  }
0x75: {  	v4 =	vld [tilespmem:s14+$0x12F30]  }
0x76: {  	[tilespmem:s14+$0x6770] =	vst.add.f32.msk $0xffff, v0  }
0x77: {  	v0 =	vld [tilespmem:s14+$0x12F40]  }
0x78: {  	v5 =	vld [tilespmem:s14+$0x12F50]  }
0x79: {  	v6 =	vld [tilespmem:s14+$0x12F60]  }
0x7a: {  	[tilespmem:s14+$0x6700] =	vst.add.f32.msk $0xffff, v1  }
0x7b: {  	[tilespmem:s14+$0x6710] =	vst.add.f32.msk $0xffff, v2  }
.Ltmp1:
0x7c: {  	[tilespmem:s14+$0x6720] =	vst.add.f32.msk $0xffff, v3;
	(pc) =	sbr.rel @p0 .LBB2_5-.Ltmp1, $4  }
0x7d: {  	[tilespmem:s14+$0x6730] =	vst.add.f32.msk $0xffff, v4  }
0x7e: {  	[tilespmem:s14+$0x6740] =	vst.add.f32.msk $0xffff, v0  }
0x7f: {  	[tilespmem:s14+$0x6750] =	vst.add.f32.msk $0xffff, v5  }
0x80: {  	[tilespmem:s14+$0x6760] =	vst.add.f32.msk $0xffff, v6;
	s14 =	sshra.s32 s4, $0x2;
	s4 =	sadd.s32 $0x200, s4  }
0x81: {  	v0 =	vld [tilespmem:s14+$0x12F70]  }
0x82: {  	v1 =	vld [tilespmem:s14+$0x12F00]  }
0x83: {  	v2 =	vld [tilespmem:s14+$0x12F10]  }
0x84: {  	v3 =	vld [tilespmem:s14+$0x12F20]  }
0x85: {  	v4 =	vld [tilespmem:s14+$0x12F30]  }
0x86: {  	v63 =	vld [tilespmem:s14+$0x12F40]  }
0x87: {  	v5 =	vld [tilespmem:s14+$0x12F50]  }
0x88: {  	v6 =	vld [tilespmem:s14+$0x12F60]  }
0x89: {  	[tilespmem:s14+$0x6770] =	vst.add.f32.msk $0xffff, v0  }
0x8a: {  	[tilespmem:s14+$0x6700] =	vst.add.f32.msk $0xffff, v1  }
0x8b: {  	[tilespmem:s14+$0x6710] =	vst.add.f32.msk $0xffff, v2  }
0x8c: {  	[tilespmem:s14+$0x6720] =	vst.add.f32.msk $0xffff, v3  }
0x8d: {  	[tilespmem:s14+$0x6730] =	vst.add.f32.msk $0xffff, v4  }
0x8e: {  	s4 =	smul.u32 $0xC80, s12;
	[tilespmem:s14+$0x6740] =	vst.add.f32.msk $0xffff, v63  }
0x8f: {  	[tilespmem:s14+$0x6750] =	vst.add.f32.msk $0xffff, v5  }
0x90: {  	s12 =	sadd.s32 s16, s10;
	s4 =	sadd.s32 s3, s4;
	[tilespmem:s14+$0x6760] =	vst.add.f32.msk $0xffff, v6;
	s14 =	simm.s32 $0x0  }
0x91: {  	[hbm4b:s4+s14] =	stream.linear.scatter [tilespmem:s25], [sflag:$0x5], $0x6400, $0x38;
	[tilespmem:$0x19300] =	vst v63  }
0x92: {  	s4 =	sadd.s32 $0x1, s12  }
0x93: {  	s16 =	sshll.u32 s4, $0x4  }
0x94: {  	s4 =	sshll.u32 s4, $0x5;
	s16 =	sand.u32 $0x70, s16  }
0x95: {  	s4 =	sand.u32 $0xFFFFF00, s4;
	s16 =	sadd.s32 s6, s16  }
0x96: {  	s4 =	sadd.s32 s4, s16  }
0x97: {  	[tilespmem:s14], [sflag:$0x7] =	stream.strided.gather [hbm4b:s4+s17], $0x100, s18, s17, $0x38;
	[tilespmem:$0x19300] =	vst v63  }
0x98: {  	_ =	swait.ge [sflag:s15], $0x4000  }
0x99: {  	[sflag:s15] =	ssyncset.done $0x0  }
0x9a: {  	[sflag:s15] =	ssyncadd.s32 $0xFFFFC000  }
0x9b: {  	_ =	swait.ge [sflag:s15], $0x2400  }
0x9c: {  	[sflag:s15] =	ssyncset.done $0x0  }
0x9d: {  	[sflag:s15] =	ssyncadd.s32 $0xFFFFDC00  }
0x9e: {  	_ =	swait.ge [sflag:s8], $0x6400  }
0x9f: {  	[sflag:s8] =	ssyncset.done $0x0  }
0xa0: {  	[sflag:s8] =	ssyncadd.s32 $0xFFFF9C00  }
0xa1: {  	_ =	swait.ge [sflag:s11], $0x100  }
0xa2: {  	[sflag:s11] =	ssyncset.done $0x0  }
0xa3: {  	[sflag:s11] =	ssyncadd.s32 $0xFFFFFF00  }
0xa4: {  	[tilespmem:s19], [sflag:$0x1] =	stream.indirect.gather [hbm4b:s1+s17], $0x80, s14, s17, $0xb8;
	[tilespmem:$0x19300] =	vst v63  }
0xa5: {  	s4 =	simm.s32 $0x200;
	s14 =	simm.s32 $0x0  }
0xa6: {  	[tilespmem:s21], [sflag:$0x1] =	stream.indirect.gather [hbm4b:s1+s20], $0x80, s17, s20, $0xb8;
	[tilespmem:$0x19300] =	vst v63  }
.LBB2_7:
0xa7: {  	p0 =	sne.s32 s4, $0x18E00;
	v0 =	vld [tilespmem:s14+$0x12F70]  }
0xa8: {  	v1 =	vld [tilespmem:s14+$0x12F00]  }
0xa9: {  	v2 =	vld [tilespmem:s14+$0x12F10]  }
0xaa: {  	v3 =	vld [tilespmem:s14+$0x12F20]  }
0xab: {  	v4 =	vld [tilespmem:s14+$0x12F30]  }
0xac: {  	[tilespmem:s14+$0xCB70] =	vst.add.f32.msk $0xffff, v0  }
0xad: {  	v0 =	vld [tilespmem:s14+$0x12F40]  }
0xae: {  	v5 =	vld [tilespmem:s14+$0x12F50]  }
0xaf: {  	v6 =	vld [tilespmem:s14+$0x12F60]  }
0xb0: {  	[tilespmem:s14+$0xCB00] =	vst.add.f32.msk $0xffff, v1  }
0xb1: {  	[tilespmem:s14+$0xCB10] =	vst.add.f32.msk $0xffff, v2  }
.Ltmp2:
0xb2: {  	[tilespmem:s14+$0xCB20] =	vst.add.f32.msk $0xffff, v3;
	(pc) =	sbr.rel @p0 .LBB2_7-.Ltmp2, $4  }
0xb3: {  	[tilespmem:s14+$0xCB30] =	vst.add.f32.msk $0xffff, v4  }
0xb4: {  	[tilespmem:s14+$0xCB40] =	vst.add.f32.msk $0xffff, v0  }
0xb5: {  	[tilespmem:s14+$0xCB50] =	vst.add.f32.msk $0xffff, v5  }
0xb6: {  	[tilespmem:s14+$0xCB60] =	vst.add.f32.msk $0xffff, v6;
	s14 =	sshra.s32 s4, $0x2;
	s4 =	sadd.s32 $0x200, s4  }
0xb7: {  	v0 =	vld [tilespmem:s14+$0x12F70]  }
0xb8: {  	v1 =	vld [tilespmem:s14+$0x12F00]  }
0xb9: {  	v2 =	vld [tilespmem:s14+$0x12F10]  }
0xba: {  	v3 =	vld [tilespmem:s14+$0x12F20]  }
0xbb: {  	v4 =	vld [tilespmem:s14+$0x12F30]  }
0xbc: {  	v63 =	vld [tilespmem:s14+$0x12F40]  }
0xbd: {  	v5 =	vld [tilespmem:s14+$0x12F50]  }
0xbe: {  	v6 =	vld [tilespmem:s14+$0x12F60]  }
0xbf: {  	[tilespmem:s14+$0xCB70] =	vst.add.f32.msk $0xffff, v0  }
0xc0: {  	[tilespmem:s14+$0xCB00] =	vst.add.f32.msk $0xffff, v1  }
0xc1: {  	s13 =	sadd.s32 $0x1, s13;
	[tilespmem:s14+$0xCB10] =	vst.add.f32.msk $0xffff, v2  }
0xc2: {  	p0 =	sne.s32 s13, $0x2A;
	[tilespmem:s14+$0xCB20] =	vst.add.f32.msk $0xffff, v3  }
.Ltmp3:
0xc3: {  	[tilespmem:s14+$0xCB30] =	vst.add.f32.msk $0xffff, v4;
	(pc) =	sbr.rel @p0 .LBB2_2-.Ltmp3, $4  }
0xc4: {  	s4 =	smul.u32 $0xC80, s12;
	[tilespmem:s14+$0xCB40] =	vst.add.f32.msk $0xffff, v63  }
0xc5: {  	[tilespmem:s14+$0xCB50] =	vst.add.f32.msk $0xffff, v5  }
0xc6: {  	s4 =	sadd.s32 s3, s4;
	[tilespmem:s14+$0xCB60] =	vst.add.f32.msk $0xffff, v6  }
0xc7: {  	[hbm4b:s4+s5] =	stream.linear.scatter [tilespmem:s0], [sflag:$0x6], $0x6400, $0x38;
	[tilespmem:$0x19300] =	vst v63  }
0xc8: {  	s4 =	rddreg [dreg:$0x6]  }
0xc9: {  	[tilespmem:s22], [sflag:$0x8] =	stream.strided.gather [hbm4b:s4+s17], $0x100, s18, s17, $0x38;
	[tilespmem:$0x19300] =	vst v63  }
0xca: {  	_ =	swait.ge [sflag:s23], $0x4000  }
0xcb: {  	[sflag:s23] =	ssyncset.done $0x0  }
0xcc: {  	[sflag:s23] =	ssyncadd.s32 $0xFFFFC000  }
0xcd: {  	_ =	swait.ge [sflag:s23], $0x2400  }
0xce: {  	[sflag:s23] =	ssyncset.done $0x0  }
0xcf: {  	s13 =	simm.s32 $0x5;
	[sflag:s23] =	ssyncadd.s32 $0xFFFFDC00  }
0xd0: {  	_ =	swait.ge [sflag:s13], $0x6400  }
0xd1: {  	[sflag:s13] =	ssyncset.done $0x0  }
0xd2: {  	[sflag:s13] =	ssyncadd.s32 $0xFFFF9C00  }
0xd3: {  	_ =	swait.ge [sflag:s24], $0x100  }
0xd4: {  	[sflag:s24] =	ssyncset.done $0x0  }
0xd5: {  	[sflag:s24] =	ssyncadd.s32 $0xFFFFFF00  }
0xd6: {  	[tilespmem:s25], [sflag:$0x2] =	stream.indirect.gather [hbm4b:s1+s17], $0x80, s22, s17, $0xb8;
	[tilespmem:$0x19300] =	vst v63  }
0xd7: {  	s12 =	simm.s32 $0x0;
	s4 =	simm.s32 $0x200  }
0xd8: {  	[tilespmem:s28], [sflag:$0x2] =	stream.indirect.gather [hbm4b:s1+s20], $0x80, s26, s20, $0xb8;
	[tilespmem:$0x19300] =	vst v63  }
.LBB2_10:
0xd9: {  	p0 =	sne.s32 s4, $0x18E00;
	v0 =	vld [tilespmem:s12+$0x12F70]  }
0xda: {  	v1 =	vld [tilespmem:s12+$0x12F00]  }
0xdb: {  	v2 =	vld [tilespmem:s12+$0x12F10]  }
0xdc: {  	v3 =	vld [tilespmem:s12+$0x12F20]  }
0xdd: {  	v4 =	vld [tilespmem:s12+$0x12F30]  }
0xde: {  	[tilespmem:s12+$0x370] =	vst.add.f32.msk $0xffff, v0  }
0xdf: {  	v0 =	vld [tilespmem:s12+$0x12F40]  }
0xe0: {  	v5 =	vld [tilespmem:s12+$0x12F50]  }
0xe1: {  	v6 =	vld [tilespmem:s12+$0x12F60]  }
0xe2: {  	[tilespmem:s12+$0x300] =	vst.add.f32.msk $0xffff, v1  }
0xe3: {  	[tilespmem:s12+$0x310] =	vst.add.f32.msk $0xffff, v2  }
.Ltmp4:
0xe4: {  	[tilespmem:s12+$0x320] =	vst.add.f32.msk $0xffff, v3;
	(pc) =	sbr.rel @p0 .LBB2_10-.Ltmp4, $4  }
0xe5: {  	[tilespmem:s12+$0x330] =	vst.add.f32.msk $0xffff, v4  }
0xe6: {  	[tilespmem:s12+$0x340] =	vst.add.f32.msk $0xffff, v0  }
0xe7: {  	[tilespmem:s12+$0x350] =	vst.add.f32.msk $0xffff, v5  }
0xe8: {  	[tilespmem:s12+$0x360] =	vst.add.f32.msk $0xffff, v6;
	s12 =	sshra.s32 s4, $0x2;
	s4 =	sadd.s32 $0x200, s4  }
0xe9: {  	v0 =	vld [tilespmem:s12+$0x12F70]  }
0xea: {  	v1 =	vld [tilespmem:s12+$0x12F00]  }
0xeb: {  	v2 =	vld [tilespmem:s12+$0x12F10]  }
0xec: {  	v3 =	vld [tilespmem:s12+$0x12F20]  }
0xed: {  	v4 =	vld [tilespmem:s12+$0x12F30]  }
0xee: {  	v63 =	vld [tilespmem:s12+$0x12F40]  }
0xef: {  	v5 =	vld [tilespmem:s12+$0x12F50]  }
0xf0: {  	v6 =	vld [tilespmem:s12+$0x12F60]  }
0xf1: {  	[tilespmem:s12+$0x370] =	vst.add.f32.msk $0xffff, v0  }
0xf2: {  	[tilespmem:s12+$0x300] =	vst.add.f32.msk $0xffff, v1  }
0xf3: {  	[tilespmem:s12+$0x310] =	vst.add.f32.msk $0xffff, v2  }
0xf4: {  	[tilespmem:s12+$0x320] =	vst.add.f32.msk $0xffff, v3  }
0xf5: {  	[tilespmem:s12+$0x330] =	vst.add.f32.msk $0xffff, v4  }
0xf6: {  	[tilespmem:s12+$0x340] =	vst.add.f32.msk $0xffff, v63  }
0xf7: {  	[tilespmem:s12+$0x350] =	vst.add.f32.msk $0xffff, v5  }
0xf8: {  	s4 =	simm.s32 $0x0;
	s16 =	rddreg [dreg:$0x7];
	[tilespmem:s12+$0x360] =	vst.add.f32.msk $0xffff, v6  }
0xf9: {  	[hbm4b:s16+s4] =	stream.linear.scatter [tilespmem:s19], [sflag:$0x4], $0x6400, $0x38;
	[tilespmem:$0x19300] =	vst v63  }
0xfa: {  	_ =	swait.ge [sflag:s30], $0x4000  }
0xfb: {  	[sflag:s30] =	ssyncset.done $0x0  }
0xfc: {  	[sflag:s30] =	ssyncadd.s32 $0xFFFFC000  }
0xfd: {  	_ =	swait.ge [sflag:s30], $0x2400  }
0xfe: {  	[sflag:s30] =	ssyncset.done $0x0  }
0xff: {  	s12 =	simm.s32 $0x0;
	s4 =	simm.s32 $0x200;
	[sflag:s30] =	ssyncadd.s32 $0xFFFFDC00  }
.LBB2_12:
0x100: {  	p0 =	sne.s32 s4, $0x18E00;
	v0 =	vld [tilespmem:s12+$0x12F70]  }
0x101: {  	v1 =	vld [tilespmem:s12+$0x12F00]  }
0x102: {  	v2 =	vld [tilespmem:s12+$0x12F10]  }
0x103: {  	v3 =	vld [tilespmem:s12+$0x12F20]  }
0x104: {  	v4 =	vld [tilespmem:s12+$0x12F30]  }
0x105: {  	[tilespmem:s12+$0x6770] =	vst.add.f32.msk $0xffff, v0  }
0x106: {  	v0 =	vld [tilespmem:s12+$0x12F40]  }
0x107: {  	v5 =	vld [tilespmem:s12+$0x12F50]  }
0x108: {  	v6 =	vld [tilespmem:s12+$0x12F60]  }
0x109: {  	[tilespmem:s12+$0x6700] =	vst.add.f32.msk $0xffff, v1  }
0x10a: {  	[tilespmem:s12+$0x6710] =	vst.add.f32.msk $0xffff, v2  }
.Ltmp5:
0x10b: {  	[tilespmem:s12+$0x6720] =	vst.add.f32.msk $0xffff, v3;
	(pc) =	sbr.rel @p0 .LBB2_12-.Ltmp5, $4  }
0x10c: {  	[tilespmem:s12+$0x6730] =	vst.add.f32.msk $0xffff, v4  }
0x10d: {  	[tilespmem:s12+$0x6740] =	vst.add.f32.msk $0xffff, v0  }
0x10e: {  	[tilespmem:s12+$0x6750] =	vst.add.f32.msk $0xffff, v5  }
0x10f: {  	[tilespmem:s12+$0x6760] =	vst.add.f32.msk $0xffff, v6;
	s12 =	sshra.s32 s4, $0x2;
	s4 =	sadd.s32 $0x200, s4  }
0x110: {  	v0 =	vld [tilespmem:s12+$0x12F70]  }
0x111: {  	v1 =	vld [tilespmem:s12+$0x12F00]  }
0x112: {  	v2 =	vld [tilespmem:s12+$0x12F10]  }
0x113: {  	v3 =	vld [tilespmem:s12+$0x12F20]  }
0x114: {  	v4 =	vld [tilespmem:s12+$0x12F30]  }
0x115: {  	v63 =	vld [tilespmem:s12+$0x12F40]  }
0x116: {  	v5 =	vld [tilespmem:s12+$0x12F50]  }
0x117: {  	v6 =	vld [tilespmem:s12+$0x12F60]  }
0x118: {  	[tilespmem:s12+$0x6770] =	vst.add.f32.msk $0xffff, v0  }
0x119: {  	[tilespmem:s12+$0x6700] =	vst.add.f32.msk $0xffff, v1  }
0x11a: {  	[tilespmem:s12+$0x6710] =	vst.add.f32.msk $0xffff, v2  }
0x11b: {  	[tilespmem:s12+$0x6720] =	vst.add.f32.msk $0xffff, v3  }
0x11c: {  	[tilespmem:s12+$0x6730] =	vst.add.f32.msk $0xffff, v4  }
0x11d: {  	[tilespmem:s12+$0x6740] =	vst.add.f32.msk $0xffff, v63  }
0x11e: {  	[tilespmem:s12+$0x6750] =	vst.add.f32.msk $0xffff, v5  }
0x11f: {  	s4 =	rddreg [dreg:$0x8];
	[tilespmem:s12+$0x6760] =	vst.add.f32.msk $0xffff, v6;
	s12 =	simm.s32 $0x6  }
0x120: {  	[hbm4b:s4+s5] =	stream.linear.scatter [tilespmem:s25], [sflag:$0x5], $0x6400, $0x38;
	[tilespmem:$0x19300] =	vst v63  }
0x121: {  	_ =	swait.ge [sflag:s12], $0x6400  }
0x122: {  	[sflag:s12] =	ssyncset.done $0x0  }
0x123: {  	[sflag:s12] =	ssyncadd.s32 $0xFFFF9C00  }
0x124: {  	_ =	swait.ge [sflag:s8], $0x6400  }
0x125: {  	[sflag:s8] =	ssyncset.done $0x0  }
0x126: {  	[sflag:s8] =	ssyncadd.s32 $0xFFFF9C00  }
0x127: {  	_ =	swait.ge [sflag:s13], $0x6400  }
0x128: {  	s14 =	rddreg [dreg:$0xa]  }
0x129: {  	s16 =	rddreg [dreg:$0x9];
	s12 =	sadd.s32 $0x1, s14  }
0x12a: {  	p0 =	sne.s32 s12, s16  }
.Ltmp6:
0x12b: {  	_ = 	snop;
	(pc) =	sbr.rel @p0 .LBB2_1-.Ltmp6, $3  }
0x12c: {  	_ =	sdelay $0x1  }
0x12d: {  	[sflag:s13] =	ssyncset.done $0x0  }
0x12e: {  	[sflag:s13] =	ssyncadd.s32 $0xFFFF9C00  }
0x12f: {  	_ =	sfence.sel $0x180000  }
0x130: {  	[bflag:$0x0] =	sbarrier.arrive $0xFFFF  }
0x131: {  	_ =	strace $0x90000047  }
0x132: {  	s0 =	stileid.u32;
	[bflag:$0x2] =	sbarrier.arrive $0xFFFF  }
0x133: {  	p0 =	sne.s32 s0, $0x0;
	s0 =	rddreg [dreg:$0x4]  }
0x134: {  	s0 =	sadd.s32 @!p0 $0x100000, s0  }
0x135: {  	[sflag:s0] =	ssyncadd.tile.s32 @!p0 $0x1;
	_ =	shalt  }
.Lfunc_end2:
_tile_overlayer_lowered:
.L_overlay_start_2:
0x136: {  	(tag) =	ssettag $0x2  }
0x137: {  	s0 =	rddreg [dreg:$0x0];
	s2 =	stileid.u32  }
0x138: {  	s1 =	rddreg [dreg:$0x1];
	p0 =	sne.s32 s2, $0x0  }
0x139: {  	s3 =	rddreg [dreg:$0x2];
	[bflag:$0x3] =	sbarrier.arrive $0xFFFF;
	s2 =	simm.s32 @!p0 $0x1C0A  }
0x13a: {  	[timem:s3], [sflag:s2] =	dma.local @!p0 [hbm:s0], s1  }
0x13b: {  	s0 =	simm.s32 @!p0 $0xA  }
0x13c: {  	_ =	swait.ge @!p0 [sflag:s0], s1  }
0x13d: {  	s1 =	ssub.s32 @!p0 $0x0, s1;
	[sflag:s0] =	ssyncset.done @!p0 $0x0  }
0x13e: {  	[sflag:s0] =	ssyncadd.s32 @!p0 s1  }
0x13f: {  	[bflag:$0x3] =	sbarrier.arrive $0xFFFF  }
0x140: {  	_ =	shalt  }

</sc_bundles>
